<compile_context>
chip_gen: v7x
topology: tpu7x:2x2x1
jax: 0.10.2.dev20260603
libtpu: 0.0.44.dev20260713+nightly
codegen_flags: <defaults>
</compile_context>

<pallas_src>
import functools

import jax
import jax.numpy as jnp
from jax import lax
from jax.experimental import pallas as pl
from jax.experimental.pallas import tpu as pltpu
from jax.experimental.pallas import tpu_sc as plsc

GAMMA = 12.0
Q = 2016
N = 256
D = 64
S = 64
QB = 336
NUM_BLOCKS = Q // QB

SC_CORES = 2
SC_SUBCORES = 16
SC_WORKERS = SC_CORES * SC_SUBCORES
ROWS_PER_WORKER = N // SC_WORKERS


@functools.cache
def _make_sc_gather():
    @functools.partial(
        pl.kernel,
        out_type=jax.ShapeDtypeStruct((SC_WORKERS, ROWS_PER_WORKER * D), jnp.float32),
        mesh=plsc.VectorSubcoreMesh(core_axis_name="c", subcore_axis_name="s"),
        scratch_types=[
            pltpu.VMEM((16,), jnp.int32),
            [pltpu.VMEM((D, 128), jnp.float32) for _ in range(ROWS_PER_WORKER)],
            pltpu.VMEM((ROWS_PER_WORKER * D,), jnp.float32),
            pltpu.SemaphoreType.DMA,
        ],
        compiler_params=pltpu.CompilerParams(needs_layout_passes=False),
    )
    def _sc_gather(table_t_hbm, idx_hbm, out_hbm, idx_v, tiles, rows_v, sem):
        wid = lax.axis_index("s") * SC_CORES + lax.axis_index("c")
        base = wid * ROWS_PER_WORKER
        pltpu.sync_copy(
            idx_hbm.at[pl.ds(base, ROWS_PER_WORKER)],
            idx_v.at[pl.ds(0, ROWS_PER_WORKER)],
        )
        vec = idx_v[...]
        tile_ids = vec // 128
        lanes = vec - tile_ids * 128
        copies = [
            pltpu.async_copy(
                table_t_hbm.at[:, pl.ds(pl.multiple_of(tile_ids[j] * 128, 128), 128)],
                tiles[j],
                sem,
            )
            for j in range(ROWS_PER_WORKER)
        ]
        for c in copies:
            c.wait()
        for j in range(ROWS_PER_WORKER):
            col_idx = jnp.full((16,), lanes[j], jnp.int32)
            for c in range(D // 16):
                row_idx = lax.iota(jnp.int32, 16) + c * 16
                vals = plsc.load_gather(tiles[j], [row_idx, col_idx])
                rows_v[pl.ds(j * D + c * 16, 16)] = vals
        pltpu.sync_copy(rows_v, out_hbm.at[wid])

    return _sc_gather


def _tc_body(sub_ref, rel_ref, nbet_ref, st_ref, en_ref, inv_ref, out_ref):
    i = pl.program_id(0)
    obj = sub_ref[...] + rel_ref[...]

    acc = jnp.zeros((QB, N), jnp.float32)
    for d in range(D):
        acc = acc + jnp.abs(obj[:, d : d + 1] - nbet_ref[d : d + 1, :])
    x = GAMMA - acc

    rows = i * QB + lax.broadcasted_iota(jnp.int32, (S, QB), 1)
    mask = (rows >= st_ref[...]) & (rows < en_ref[...])
    w = jnp.where(mask, inv_ref[...], 0.0)
    contrib = jnp.dot(
        w, x, preferred_element_type=jnp.float32, precision=lax.Precision.HIGHEST
    )

    @pl.when(i == 0)
    def _():
        out_ref[...] = contrib

    @pl.when(i > 0)
    def _():
        out_ref[...] += contrib


def kernel(sub_emb, rel_emb, target, node_emb, graph_batch_x, num_neigh):
    del target
    idx = graph_batch_x.astype(jnp.int32)
    gathered = _make_sc_gather()(node_emb.T, idx)
    nbet = gathered.reshape(N, D).T

    cnt = num_neigh.astype(jnp.int32)
    ends = jnp.cumsum(cnt)
    starts = ends - cnt
    inv = 1.0 / jnp.maximum(cnt.astype(jnp.float32), 1e-12)
    starts2 = starts.reshape(S, 1)
    ends2 = ends.reshape(S, 1)
    inv2 = inv.reshape(S, 1)

    return pl.pallas_call(
        _tc_body,
        grid=(NUM_BLOCKS,),
        in_specs=[
            pl.BlockSpec((QB, D), lambda i: (i, 0)),
            pl.BlockSpec((QB, D), lambda i: (i, 0)),
            pl.BlockSpec((D, N), lambda i: (0, 0)),
            pl.BlockSpec((S, 1), lambda i: (0, 0)),
            pl.BlockSpec((S, 1), lambda i: (0, 0)),
            pl.BlockSpec((S, 1), lambda i: (0, 0)),
        ],
        out_specs=pl.BlockSpec((S, N), lambda i: (0, 0)),
        out_shape=jax.ShapeDtypeStruct((S, N), jnp.float32),
    )(sub_emb, rel_emb, nbet, starts2, ends2, inv2)

# --- scband reference (transcript-rebuilt; emitter-appended) ---
"""Pipeline reference for scband-trans-edist-42013370089992 (READ-ONLY COPY).

The authoritative reference and input builder live on the scoring server;
editing this copy changes nothing except your own understanding.
"""

import jax, jax.numpy as jnp
import numpy as np

GAMMA = 12.0
S = 64
Q = 2016  # sum(arange(64))
N = 256
D = 64
VOCAB = 50000


def setup_inputs(seed: int = 0) -> dict:
    key = jax.random.key(seed)
    k1, k2, k3, k4 = jax.random.split(key, 4)
    sub_emb = jax.random.normal(k1, (Q, D), dtype=jnp.float32)
    rel_emb = jax.random.normal(k2, (Q, D), dtype=jnp.float32)
    node_emb = jax.random.normal(k3, (VOCAB, D), dtype=jnp.float32)
    graph_batch_x = jax.random.randint(k4, (N,), 0, VOCAB)
    num_neigh = jnp.arange(S)  # sums to Q = 2016; segment 0 is empty (mirrors torch semantics)
    target = jnp.zeros((S, N), dtype=jnp.float32)
    return {
        "sub_emb": sub_emb,
        "rel_emb": rel_emb,
        "target": target,
        "node_emb": node_emb,
        "graph_batch_x": graph_batch_x,
        "num_neigh": num_neigh,
    }


def reference(sub_emb, rel_emb, target, node_emb, graph_batch_x, num_neigh):
    # node_batch_emb = node_emb[graph_batch.x, :]
    node_batch_emb = jnp.take(node_emb, graph_batch_x, axis=0)  # [N, D]
    obj_emb = sub_emb + rel_emb  # [Q, D]
    # x = gamma - ||obj_emb[:,None,:] - node_batch_emb||_1 along feature dim -> [Q, N]
    x = GAMMA - jnp.sum(jnp.abs(obj_emb[:, None, :] - node_batch_emb[None, :, :]), axis=2)
    nseg = num_neigh.shape[0]
    # torch: arange(S).repeat_interleave(num_neigh) -> segment id per query row
    seg_ids = jnp.repeat(jnp.arange(nseg), num_neigh, total_repeat_length=x.shape[0])
    # M one-hot rows, L1-normalized (F.normalize p=1, eps=1e-12) then M @ x == zero-safe segment mean
    sums = jax.ops.segment_sum(x, seg_ids, num_segments=nseg)  # [S, N]
    counts = jax.ops.segment_sum(jnp.ones((x.shape[0],), dtype=x.dtype), seg_ids, num_segments=nseg)
    denom = jnp.maximum(counts, 1e-12)
    return sums / denom[:, None]

if __name__ == "__main__":
    import jax
    _d = setup_inputs()
    print(jax.jit(kernel)(*tuple(_d.values())))

</pallas_src>

<mosaic_0001>
#map = affine_map<(d0, d1) -> (0, 0)>
#map1 = affine_map<(d0, d1) -> (0)>
module attributes {stable_mosaic.version = 14 : i64} {
  func.func @_sc_gather(%arg0: i32, %arg1: i32, %arg2: memref<64x50000xf32, #tpu.memory_space<hbm>>, %arg3: memref<256xi32, #tpu.memory_space<hbm>>, %arg4: memref<32x512xf32, #tpu.memory_space<hbm>>, %arg5: memref<16xi32, #tpu.memory_space<vmem>>, %arg6: memref<64x128xf32, #tpu.memory_space<vmem>>, %arg7: memref<64x128xf32, #tpu.memory_space<vmem>>, %arg8: memref<64x128xf32, #tpu.memory_space<vmem>>, %arg9: memref<64x128xf32, #tpu.memory_space<vmem>>, %arg10: memref<64x128xf32, #tpu.memory_space<vmem>>, %arg11: memref<64x128xf32, #tpu.memory_space<vmem>>, %arg12: memref<64x128xf32, #tpu.memory_space<vmem>>, %arg13: memref<64x128xf32, #tpu.memory_space<vmem>>, %arg14: memref<512xf32, #tpu.memory_space<vmem>>, %arg15: memref<!tpu.dma_semaphore, #tpu.memory_space<semaphore_mem>>) attributes {dimension_semantics = [#tpu.dimension_semantics<core_parallel>, #tpu.dimension_semantics<subcore_parallel>], iteration_bounds = array<i64: 2, 16>, scalar_prefetch = 0 : i64, scratch_operands = 11 : i64, tpu.core_type = #tpu.core_type<sc_vector_subcore>, window_params = [{transform_indices = #map}, {transform_indices = #map1}, {transform_indices = #map}]} {
    %mul3A = arith.constant 2 : i32
    %mul3A_0 = arith.muli %arg1, %mul3A : i32
    %add3A = arith.addi %mul3A_0, %arg0 : i32
    %mul3A_1 = arith.constant 8 : i32
    %mul3A_2 = arith.muli %add3A, %mul3A_1 : i32
    "tpu.region"() ({
      %run_scoped3A = tpu.sem_alloc : memref<!tpu.dma_semaphore, #tpu.memory_space<semaphore_mem>>
      %dma_start3A_374 = arith.constant 0 : i32
      %dma_start3A_375 = tpu.memref_slice %arg5[%dma_start3A_374] : memref<16xi32, #tpu.memory_space<vmem>> -> memref<8xi32, #tpu.memory_space<vmem>>
      %dma_start3A_376 = tpu.memref_slice %arg3[%mul3A_2] : memref<256xi32, #tpu.memory_space<hbm>> -> memref<8xi32, #tpu.memory_space<hbm>>
      %dma_start3A_377 = arith.constant 0 : i32
      %dma_start3A_378 = tpu.memref_slice %arg5[%dma_start3A_377] : memref<16xi32, #tpu.memory_space<vmem>> -> memref<8xi32, #tpu.memory_space<vmem>>
      %dma_start3A_379 = tpu.memref_slice %arg3[%mul3A_2] : memref<256xi32, #tpu.memory_space<hbm>> -> memref<8xi32, #tpu.memory_space<hbm>>
      tpu.enqueue_dma source(%dma_start3A_379 : memref<8xi32, #tpu.memory_space<hbm>>) target(%dma_start3A_378 : memref<8xi32, #tpu.memory_space<vmem>>) target_semaphore(%run_scoped3A : memref<!tpu.dma_semaphore, #tpu.memory_space<semaphore_mem>>)
      %dma_wait3A_380 = arith.constant 0 : i32
      %dma_wait3A_381 = tpu.memref_slice %arg5[%dma_wait3A_380] : memref<16xi32, #tpu.memory_space<vmem>> -> memref<8xi32, #tpu.memory_space<vmem>>
      %dma_wait3A_382 = tpu.memref_slice %arg3[%mul3A_2] : memref<256xi32, #tpu.memory_space<hbm>> -> memref<8xi32, #tpu.memory_space<hbm>>
      %dma_wait3A_383 = arith.constant 0 : i32
      %dma_wait3A_384 = tpu.memref_slice %arg5[%dma_wait3A_383] : memref<16xi32, #tpu.memory_space<vmem>> -> memref<8xi32, #tpu.memory_space<vmem>>
      %dma_wait3A_385 = tpu.memref_slice %arg3[%mul3A_2] : memref<256xi32, #tpu.memory_space<hbm>> -> memref<8xi32, #tpu.memory_space<hbm>>
      tpu.wait_dma2 semaphore(%run_scoped3A : memref<!tpu.dma_semaphore, #tpu.memory_space<semaphore_mem>>) src(%dma_wait3A_385 : memref<8xi32, #tpu.memory_space<hbm>>) dst(%dma_wait3A_384 : memref<8xi32, #tpu.memory_space<vmem>>)
      tpu.yield
    }) : () -> ()
    %get3A = arith.constant 0 : index
    %get3A_3 = tpu.vector_load %arg5[%get3A] {strides = array<i32>} : memref<16xi32, #tpu.memory_space<vmem>>, vector<16xi32>,
    %jit3A = arith.constant 128 : i32
    %div3A = vector.broadcast %jit3A : i32 to vector<16xi32>
    %div3A_4 = arith.divsi %get3A_3, %div3A : vector<16xi32>
    %sign3A = arith.constant 0 : i32
    %sign3A_5 = vector.broadcast %sign3A : i32 to vector<16xi32>
    %sign3A_6 = arith.cmpi sgt, %get3A_3, %sign3A_5 : vector<16xi32>
    %sign3A_7 = arith.extui %sign3A_6 : vector<16xi1> to vector<16xi32>
    %sign3A_8 = arith.constant 0 : i32
    %sign3A_9 = vector.broadcast %sign3A_8 : i32 to vector<16xi32>
    %sign3A_10 = arith.cmpi slt, %get3A_3, %sign3A_9 : vector<16xi32>
    %sign3A_11 = arith.extui %sign3A_10 : vector<16xi1> to vector<16xi32>
    %sign3A_12 = arith.subi %sign3A_7, %sign3A_11 : vector<16xi32>
    %sign3A_13 = arith.constant 0 : i32
    %sign3A_14 = arith.cmpi sgt, %jit3A, %sign3A_13 : i32
    %sign3A_15 = arith.extui %sign3A_14 : i1 to i32
    %sign3A_16 = arith.constant 0 : i32
    %sign3A_17 = arith.cmpi slt, %jit3A, %sign3A_16 : i32
    %sign3A_18 = arith.extui %sign3A_17 : i1 to i32
    %sign3A_19 = arith.subi %sign3A_15, %sign3A_18 : i32
    %ne3A = vector.broadcast %sign3A_19 : i32 to vector<16xi32>
    %ne3A_20 = arith.cmpi ne, %sign3A_12, %ne3A : vector<16xi32>
    %rem3A = vector.broadcast %jit3A : i32 to vector<16xi32>
    %rem3A_21 = arith.remsi %get3A_3, %rem3A : vector<16xi32>
    %ne3A_22 = arith.constant 0 : i32
    %ne3A_23 = vector.broadcast %ne3A_22 : i32 to vector<16xi32>
    %ne3A_24 = arith.cmpi ne, %rem3A_21, %ne3A_23 : vector<16xi32>
    %and3A = arith.andi %ne3A_20, %ne3A_24 : vector<16xi1>
    %sub3A = arith.constant 1 : i32
    %sub3A_25 = vector.broadcast %sub3A : i32 to vector<16xi32>
    %sub3A_26 = arith.subi %div3A_4, %sub3A_25 : vector<16xi32>
    %select_n3A = arith.select %and3A, %sub3A_26, %div3A_4 : vector<16xi1>, vector<16xi32>
    %mul3A_27 = arith.constant 128 : i32
    %mul3A_28 = vector.broadcast %mul3A_27 : i32 to vector<16xi32>
    %mul3A_29 = arith.muli %select_n3A, %mul3A_28 : vector<16xi32>
    %sub3A_30 = arith.subi %get3A_3, %mul3A_29 : vector<16xi32>
    %slice3A = vector.extract_strided_slice %select_n3A {offsets = [0], sizes = [1], strides = [1]} : vector<16xi32> to vector<1xi32>
    %squeeze3A = vector.extract %slice3A[0] : i32 from vector<1xi32>
    %mul3A_31 = arith.constant 128 : i32
    %mul3A_32 = arith.muli %squeeze3A, %mul3A_31 : i32
    %multiple_of3A = tpu.assume_multiple %mul3A_32, 128 : i32
    %dma_start3A = arith.constant 0 : i32
    %dma_start3A_33 = tpu.memref_slice %arg2[%dma_start3A, %multiple_of3A] : memref<64x50000xf32, #tpu.memory_space<hbm>> -> memref<64x128xf32, #tpu.memory_space<hbm>>
    %dma_start3A_34 = arith.constant 0 : i32
    %dma_start3A_35 = tpu.memref_slice %arg2[%dma_start3A_34, %multiple_of3A] : memref<64x50000xf32, #tpu.memory_space<hbm>> -> memref<64x128xf32, #tpu.memory_space<hbm>>
    tpu.enqueue_dma source(%dma_start3A_35 : memref<64x128xf32, #tpu.memory_space<hbm>>) target(%arg6 : memref<64x128xf32, #tpu.memory_space<vmem>>) target_semaphore(%arg15 : memref<!tpu.dma_semaphore, #tpu.memory_space<semaphore_mem>>)
    %slice3A_36 = vector.extract_strided_slice %select_n3A {offsets = [1], sizes = [1], strides = [1]} : vector<16xi32> to vector<1xi32>
    %squeeze3A_37 = vector.extract %slice3A_36[0] : i32 from vector<1xi32>
    %mul3A_38 = arith.constant 128 : i32
    %mul3A_39 = arith.muli %squeeze3A_37, %mul3A_38 : i32
    %multiple_of3A_40 = tpu.assume_multiple %mul3A_39, 128 : i32
    %dma_start3A_41 = arith.constant 0 : i32
    %dma_start3A_42 = tpu.memref_slice %arg2[%dma_start3A_41, %multiple_of3A_40] : memref<64x50000xf32, #tpu.memory_space<hbm>> -> memref<64x128xf32, #tpu.memory_space<hbm>>
    %dma_start3A_43 = arith.constant 0 : i32
    %dma_start3A_44 = tpu.memref_slice %arg2[%dma_start3A_43, %multiple_of3A_40] : memref<64x50000xf32, #tpu.memory_space<hbm>> -> memref<64x128xf32, #tpu.memory_space<hbm>>
    tpu.enqueue_dma source(%dma_start3A_44 : memref<64x128xf32, #tpu.memory_space<hbm>>) target(%arg7 : memref<64x128xf32, #tpu.memory_space<vmem>>) target_semaphore(%arg15 : memref<!tpu.dma_semaphore, #tpu.memory_space<semaphore_mem>>)
    %slice3A_45 = vector.extract_strided_slice %select_n3A {offsets = [2], sizes = [1], strides = [1]} : vector<16xi32> to vector<1xi32>
    %squeeze3A_46 = vector.extract %slice3A_45[0] : i32 from vector<1xi32>
    %mul3A_47 = arith.constant 128 : i32
    %mul3A_48 = arith.muli %squeeze3A_46, %mul3A_47 : i32
    %multiple_of3A_49 = tpu.assume_multiple %mul3A_48, 128 : i32
    %dma_start3A_50 = arith.constant 0 : i32
    %dma_start3A_51 = tpu.memref_slice %arg2[%dma_start3A_50, %multiple_of3A_49] : memref<64x50000xf32, #tpu.memory_space<hbm>> -> memref<64x128xf32, #tpu.memory_space<hbm>>
    %dma_start3A_52 = arith.constant 0 : i32
    %dma_start3A_53 = tpu.memref_slice %arg2[%dma_start3A_52, %multiple_of3A_49] : memref<64x50000xf32, #tpu.memory_space<hbm>> -> memref<64x128xf32, #tpu.memory_space<hbm>>
    tpu.enqueue_dma source(%dma_start3A_53 : memref<64x128xf32, #tpu.memory_space<hbm>>) target(%arg8 : memref<64x128xf32, #tpu.memory_space<vmem>>) target_semaphore(%arg15 : memref<!tpu.dma_semaphore, #tpu.memory_space<semaphore_mem>>)
    %slice3A_54 = vector.extract_strided_slice %select_n3A {offsets = [3], sizes = [1], strides = [1]} : vector<16xi32> to vector<1xi32>
    %squeeze3A_55 = vector.extract %slice3A_54[0] : i32 from vector<1xi32>
    %mul3A_56 = arith.constant 128 : i32
    %mul3A_57 = arith.muli %squeeze3A_55, %mul3A_56 : i32
    %multiple_of3A_58 = tpu.assume_multiple %mul3A_57, 128 : i32
    %dma_start3A_59 = arith.constant 0 : i32
    %dma_start3A_60 = tpu.memref_slice %arg2[%dma_start3A_59, %multiple_of3A_58] : memref<64x50000xf32, #tpu.memory_space<hbm>> -> memref<64x128xf32, #tpu.memory_space<hbm>>
    %dma_start3A_61 = arith.constant 0 : i32
    %dma_start3A_62 = tpu.memref_slice %arg2[%dma_start3A_61, %multiple_of3A_58] : memref<64x50000xf32, #tpu.memory_space<hbm>> -> memref<64x128xf32, #tpu.memory_space<hbm>>
    tpu.enqueue_dma source(%dma_start3A_62 : memref<64x128xf32, #tpu.memory_space<hbm>>) target(%arg9 : memref<64x128xf32, #tpu.memory_space<vmem>>) target_semaphore(%arg15 : memref<!tpu.dma_semaphore, #tpu.memory_space<semaphore_mem>>)
    %slice3A_63 = vector.extract_strided_slice %select_n3A {offsets = [4], sizes = [1], strides = [1]} : vector<16xi32> to vector<1xi32>
    %squeeze3A_64 = vector.extract %slice3A_63[0] : i32 from vector<1xi32>
    %mul3A_65 = arith.constant 128 : i32
    %mul3A_66 = arith.muli %squeeze3A_64, %mul3A_65 : i32
    %multiple_of3A_67 = tpu.assume_multiple %mul3A_66, 128 : i32
    %dma_start3A_68 = arith.constant 0 : i32
    %dma_start3A_69 = tpu.memref_slice %arg2[%dma_start3A_68, %multiple_of3A_67] : memref<64x50000xf32, #tpu.memory_space<hbm>> -> memref<64x128xf32, #tpu.memory_space<hbm>>
    %dma_start3A_70 = arith.constant 0 : i32
    %dma_start3A_71 = tpu.memref_slice %arg2[%dma_start3A_70, %multiple_of3A_67] : memref<64x50000xf32, #tpu.memory_space<hbm>> -> memref<64x128xf32, #tpu.memory_space<hbm>>
    tpu.enqueue_dma source(%dma_start3A_71 : memref<64x128xf32, #tpu.memory_space<hbm>>) target(%arg10 : memref<64x128xf32, #tpu.memory_space<vmem>>) target_semaphore(%arg15 : memref<!tpu.dma_semaphore, #tpu.memory_space<semaphore_mem>>)
    %slice3A_72 = vector.extract_strided_slice %select_n3A {offsets = [5], sizes = [1], strides = [1]} : vector<16xi32> to vector<1xi32>
    %squeeze3A_73 = vector.extract %slice3A_72[0] : i32 from vector<1xi32>
    %mul3A_74 = arith.constant 128 : i32
    %mul3A_75 = arith.muli %squeeze3A_73, %mul3A_74 : i32
    %multiple_of3A_76 = tpu.assume_multiple %mul3A_75, 128 : i32
    %dma_start3A_77 = arith.constant 0 : i32
    %dma_start3A_78 = tpu.memref_slice %arg2[%dma_start3A_77, %multiple_of3A_76] : memref<64x50000xf32, #tpu.memory_space<hbm>> -> memref<64x128xf32, #tpu.memory_space<hbm>>
    %dma_start3A_79 = arith.constant 0 : i32
    %dma_start3A_80 = tpu.memref_slice %arg2[%dma_start3A_79, %multiple_of3A_76] : memref<64x50000xf32, #tpu.memory_space<hbm>> -> memref<64x128xf32, #tpu.memory_space<hbm>>
    tpu.enqueue_dma source(%dma_start3A_80 : memref<64x128xf32, #tpu.memory_space<hbm>>) target(%arg11 : memref<64x128xf32, #tpu.memory_space<vmem>>) target_semaphore(%arg15 : memref<!tpu.dma_semaphore, #tpu.memory_space<semaphore_mem>>)
    %slice3A_81 = vector.extract_strided_slice %select_n3A {offsets = [6], sizes = [1], strides = [1]} : vector<16xi32> to vector<1xi32>
    %squeeze3A_82 = vector.extract %slice3A_81[0] : i32 from vector<1xi32>
    %mul3A_83 = arith.constant 128 : i32
    %mul3A_84 = arith.muli %squeeze3A_82, %mul3A_83 : i32
    %multiple_of3A_85 = tpu.assume_multiple %mul3A_84, 128 : i32
    %dma_start3A_86 = arith.constant 0 : i32
    %dma_start3A_87 = tpu.memref_slice %arg2[%dma_start3A_86, %multiple_of3A_85] : memref<64x50000xf32, #tpu.memory_space<hbm>> -> memref<64x128xf32, #tpu.memory_space<hbm>>
    %dma_start3A_88 = arith.constant 0 : i32
    %dma_start3A_89 = tpu.memref_slice %arg2[%dma_start3A_88, %multiple_of3A_85] : memref<64x50000xf32, #tpu.memory_space<hbm>> -> memref<64x128xf32, #tpu.memory_space<hbm>>
    tpu.enqueue_dma source(%dma_start3A_89 : memref<64x128xf32, #tpu.memory_space<hbm>>) target(%arg12 : memref<64x128xf32, #tpu.memory_space<vmem>>) target_semaphore(%arg15 : memref<!tpu.dma_semaphore, #tpu.memory_space<semaphore_mem>>)
    %slice3A_90 = vector.extract_strided_slice %select_n3A {offsets = [7], sizes = [1], strides = [1]} : vector<16xi32> to vector<1xi32>
    %squeeze3A_91 = vector.extract %slice3A_90[0] : i32 from vector<1xi32>
    %mul3A_92 = arith.constant 128 : i32
    %mul3A_93 = arith.muli %squeeze3A_91, %mul3A_92 : i32
    %multiple_of3A_94 = tpu.assume_multiple %mul3A_93, 128 : i32
    %dma_start3A_95 = arith.constant 0 : i32
    %dma_start3A_96 = tpu.memref_slice %arg2[%dma_start3A_95, %multiple_of3A_94] : memref<64x50000xf32, #tpu.memory_space<hbm>> -> memref<64x128xf32, #tpu.memory_space<hbm>>
    %dma_start3A_97 = arith.constant 0 : i32
    %dma_start3A_98 = tpu.memref_slice %arg2[%dma_start3A_97, %multiple_of3A_94] : memref<64x50000xf32, #tpu.memory_space<hbm>> -> memref<64x128xf32, #tpu.memory_space<hbm>>
    tpu.enqueue_dma source(%dma_start3A_98 : memref<64x128xf32, #tpu.memory_space<hbm>>) target(%arg13 : memref<64x128xf32, #tpu.memory_space<vmem>>) target_semaphore(%arg15 : memref<!tpu.dma_semaphore, #tpu.memory_space<semaphore_mem>>)
    %dma_wait3A = arith.constant 0 : i32
    %dma_wait3A_99 = tpu.memref_slice %arg2[%dma_wait3A, %multiple_of3A] : memref<64x50000xf32, #tpu.memory_space<hbm>> -> memref<64x128xf32, #tpu.memory_space<hbm>>
    %dma_wait3A_100 = arith.constant 0 : i32
    %dma_wait3A_101 = tpu.memref_slice %arg2[%dma_wait3A_100, %multiple_of3A] : memref<64x50000xf32, #tpu.memory_space<hbm>> -> memref<64x128xf32, #tpu.memory_space<hbm>>
    tpu.wait_dma2 semaphore(%arg15 : memref<!tpu.dma_semaphore, #tpu.memory_space<semaphore_mem>>) src(%dma_wait3A_101 : memref<64x128xf32, #tpu.memory_space<hbm>>) dst(%arg6 : memref<64x128xf32, #tpu.memory_space<vmem>>)
    %dma_wait3A_102 = arith.constant 0 : i32
    %dma_wait3A_103 = tpu.memref_slice %arg2[%dma_wait3A_102, %multiple_of3A_40] : memref<64x50000xf32, #tpu.memory_space<hbm>> -> memref<64x128xf32, #tpu.memory_space<hbm>>
    %dma_wait3A_104 = arith.constant 0 : i32
    %dma_wait3A_105 = tpu.memref_slice %arg2[%dma_wait3A_104, %multiple_of3A_40] : memref<64x50000xf32, #tpu.memory_space<hbm>> -> memref<64x128xf32, #tpu.memory_space<hbm>>
    tpu.wait_dma2 semaphore(%arg15 : memref<!tpu.dma_semaphore, #tpu.memory_space<semaphore_mem>>) src(%dma_wait3A_105 : memref<64x128xf32, #tpu.memory_space<hbm>>) dst(%arg7 : memref<64x128xf32, #tpu.memory_space<vmem>>)
    %dma_wait3A_106 = arith.constant 0 : i32
    %dma_wait3A_107 = tpu.memref_slice %arg2[%dma_wait3A_106, %multiple_of3A_49] : memref<64x50000xf32, #tpu.memory_space<hbm>> -> memref<64x128xf32, #tpu.memory_space<hbm>>
    %dma_wait3A_108 = arith.constant 0 : i32
    %dma_wait3A_109 = tpu.memref_slice %arg2[%dma_wait3A_108, %multiple_of3A_49] : memref<64x50000xf32, #tpu.memory_space<hbm>> -> memref<64x128xf32, #tpu.memory_space<hbm>>
    tpu.wait_dma2 semaphore(%arg15 : memref<!tpu.dma_semaphore, #tpu.memory_space<semaphore_mem>>) src(%dma_wait3A_109 : memref<64x128xf32, #tpu.memory_space<hbm>>) dst(%arg8 : memref<64x128xf32, #tpu.memory_space<vmem>>)
    %dma_wait3A_110 = arith.constant 0 : i32
    %dma_wait3A_111 = tpu.memref_slice %arg2[%dma_wait3A_110, %multiple_of3A_58] : memref<64x50000xf32, #tpu.memory_space<hbm>> -> memref<64x128xf32, #tpu.memory_space<hbm>>
    %dma_wait3A_112 = arith.constant 0 : i32
    %dma_wait3A_113 = tpu.memref_slice %arg2[%dma_wait3A_112, %multiple_of3A_58] : memref<64x50000xf32, #tpu.memory_space<hbm>> -> memref<64x128xf32, #tpu.memory_space<hbm>>
    tpu.wait_dma2 semaphore(%arg15 : memref<!tpu.dma_semaphore, #tpu.memory_space<semaphore_mem>>) src(%dma_wait3A_113 : memref<64x128xf32, #tpu.memory_space<hbm>>) dst(%arg9 : memref<64x128xf32, #tpu.memory_space<vmem>>)
    %dma_wait3A_114 = arith.constant 0 : i32
    %dma_wait3A_115 = tpu.memref_slice %arg2[%dma_wait3A_114, %multiple_of3A_67] : memref<64x50000xf32, #tpu.memory_space<hbm>> -> memref<64x128xf32, #tpu.memory_space<hbm>>
    %dma_wait3A_116 = arith.constant 0 : i32
    %dma_wait3A_117 = tpu.memref_slice %arg2[%dma_wait3A_116, %multiple_of3A_67] : memref<64x50000xf32, #tpu.memory_space<hbm>> -> memref<64x128xf32, #tpu.memory_space<hbm>>
    tpu.wait_dma2 semaphore(%arg15 : memref<!tpu.dma_semaphore, #tpu.memory_space<semaphore_mem>>) src(%dma_wait3A_117 : memref<64x128xf32, #tpu.memory_space<hbm>>) dst(%arg10 : memref<64x128xf32, #tpu.memory_space<vmem>>)
    %dma_wait3A_118 = arith.constant 0 : i32
    %dma_wait3A_119 = tpu.memref_slice %arg2[%dma_wait3A_118, %multiple_of3A_76] : memref<64x50000xf32, #tpu.memory_space<hbm>> -> memref<64x128xf32, #tpu.memory_space<hbm>>
    %dma_wait3A_120 = arith.constant 0 : i32
    %dma_wait3A_121 = tpu.memref_slice %arg2[%dma_wait3A_120, %multiple_of3A_76] : memref<64x50000xf32, #tpu.memory_space<hbm>> -> memref<64x128xf32, #tpu.memory_space<hbm>>
    tpu.wait_dma2 semaphore(%arg15 : memref<!tpu.dma_semaphore, #tpu.memory_space<semaphore_mem>>) src(%dma_wait3A_121 : memref<64x128xf32, #tpu.memory_space<hbm>>) dst(%arg11 : memref<64x128xf32, #tpu.memory_space<vmem>>)
    %dma_wait3A_122 = arith.constant 0 : i32
    %dma_wait3A_123 = tpu.memref_slice %arg2[%dma_wait3A_122, %multiple_of3A_85] : memref<64x50000xf32, #tpu.memory_space<hbm>> -> memref<64x128xf32, #tpu.memory_space<hbm>>
    %dma_wait3A_124 = arith.constant 0 : i32
    %dma_wait3A_125 = tpu.memref_slice %arg2[%dma_wait3A_124, %multiple_of3A_85] : memref<64x50000xf32, #tpu.memory_space<hbm>> -> memref<64x128xf32, #tpu.memory_space<hbm>>
    tpu.wait_dma2 semaphore(%arg15 : memref<!tpu.dma_semaphore, #tpu.memory_space<semaphore_mem>>) src(%dma_wait3A_125 : memref<64x128xf32, #tpu.memory_space<hbm>>) dst(%arg12 : memref<64x128xf32, #tpu.memory_space<vmem>>)
    %dma_wait3A_126 = arith.constant 0 : i32
    %dma_wait3A_127 = tpu.memref_slice %arg2[%dma_wait3A_126, %multiple_of3A_94] : memref<64x50000xf32, #tpu.memory_space<hbm>> -> memref<64x128xf32, #tpu.memory_space<hbm>>
    %dma_wait3A_128 = arith.constant 0 : i32
    %dma_wait3A_129 = tpu.memref_slice %arg2[%dma_wait3A_128, %multiple_of3A_94] : memref<64x50000xf32, #tpu.memory_space<hbm>> -> memref<64x128xf32, #tpu.memory_space<hbm>>
    tpu.wait_dma2 semaphore(%arg15 : memref<!tpu.dma_semaphore, #tpu.memory_space<semaphore_mem>>) src(%dma_wait3A_129 : memref<64x128xf32, #tpu.memory_space<hbm>>) dst(%arg13 : memref<64x128xf32, #tpu.memory_space<vmem>>)
    %slice3A_130 = vector.extract_strided_slice %sub3A_30 {offsets = [0], sizes = [1], strides = [1]} : vector<16xi32> to vector<1xi32>
    %squeeze3A_131 = vector.extract %slice3A_130[0] : i32 from vector<1xi32>
    %broadcast_in_dim3A = vector.broadcast %squeeze3A_131 : i32 to vector<16xi32>
    %iota3A = tpu.iota {dimensions = array<i32: 0>} : vector<16xi32>
    %add3A_132 = arith.constant 0 : i32
    %add3A_133 = vector.broadcast %add3A_132 : i32 to vector<16xi32>
    %add3A_134 = arith.addi %iota3A, %add3A_133 : vector<16xi32>
    %gather3A = tpu.vector_load_idx %arg6[%add3A_134, %broadcast_in_dim3A] : memref<64x128xf32, #tpu.memory_space<vmem>>[vector<16xi32>, vector<16xi32>], vector<16xf32>,
    %swap3A = arith.constant 0 : index
    %swap3A_135 = tpu.vector_load %arg14[%swap3A] {strides = array<i32>} : memref<512xf32, #tpu.memory_space<vmem>>, vector<16xf32>,
    tpu.vector_store %arg14[%swap3A], %gather3A {strides = array<i32>} : memref<512xf32, #tpu.memory_space<vmem>>, vector<16xf32>,
    %iota3A_136 = tpu.iota {dimensions = array<i32: 0>} : vector<16xi32>
    %add3A_137 = arith.constant 16 : i32
    %add3A_138 = vector.broadcast %add3A_137 : i32 to vector<16xi32>
    %add3A_139 = arith.addi %iota3A_136, %add3A_138 : vector<16xi32>
    %gather3A_140 = tpu.vector_load_idx %arg6[%add3A_139, %broadcast_in_dim3A] : memref<64x128xf32, #tpu.memory_space<vmem>>[vector<16xi32>, vector<16xi32>], vector<16xf32>,
    %swap3A_141 = arith.constant 16 : index
    %swap3A_142 = tpu.vector_load %arg14[%swap3A_141] {strides = array<i32>} : memref<512xf32, #tpu.memory_space<vmem>>, vector<16xf32>,
    tpu.vector_store %arg14[%swap3A_141], %gather3A_140 {strides = array<i32>} : memref<512xf32, #tpu.memory_space<vmem>>, vector<16xf32>,
    %iota3A_143 = tpu.iota {dimensions = array<i32: 0>} : vector<16xi32>
    %add3A_144 = arith.constant 32 : i32
    %add3A_145 = vector.broadcast %add3A_144 : i32 to vector<16xi32>
    %add3A_146 = arith.addi %iota3A_143, %add3A_145 : vector<16xi32>
    %gather3A_147 = tpu.vector_load_idx %arg6[%add3A_146, %broadcast_in_dim3A] : memref<64x128xf32, #tpu.memory_space<vmem>>[vector<16xi32>, vector<16xi32>], vector<16xf32>,
    %swap3A_148 = arith.constant 32 : index
    %swap3A_149 = tpu.vector_load %arg14[%swap3A_148] {strides = array<i32>} : memref<512xf32, #tpu.memory_space<vmem>>, vector<16xf32>,
    tpu.vector_store %arg14[%swap3A_148], %gather3A_147 {strides = array<i32>} : memref<512xf32, #tpu.memory_space<vmem>>, vector<16xf32>,
    %iota3A_150 = tpu.iota {dimensions = array<i32: 0>} : vector<16xi32>
    %add3A_151 = arith.constant 48 : i32
    %add3A_152 = vector.broadcast %add3A_151 : i32 to vector<16xi32>
    %add3A_153 = arith.addi %iota3A_150, %add3A_152 : vector<16xi32>
    %gather3A_154 = tpu.vector_load_idx %arg6[%add3A_153, %broadcast_in_dim3A] : memref<64x128xf32, #tpu.memory_space<vmem>>[vector<16xi32>, vector<16xi32>], vector<16xf32>,
    %swap3A_155 = arith.constant 48 : index
    %swap3A_156 = tpu.vector_load %arg14[%swap3A_155] {strides = array<i32>} : memref<512xf32, #tpu.memory_space<vmem>>, vector<16xf32>,
    tpu.vector_store %arg14[%swap3A_155], %gather3A_154 {strides = array<i32>} : memref<512xf32, #tpu.memory_space<vmem>>, vector<16xf32>,
    %slice3A_157 = vector.extract_strided_slice %sub3A_30 {offsets = [1], sizes = [1], strides = [1]} : vector<16xi32> to vector<1xi32>
    %squeeze3A_158 = vector.extract %slice3A_157[0] : i32 from vector<1xi32>
    %broadcast_in_dim3A_159 = vector.broadcast %squeeze3A_158 : i32 to vector<16xi32>
    %iota3A_160 = tpu.iota {dimensions = array<i32: 0>} : vector<16xi32>
    %add3A_161 = arith.constant 0 : i32
    %add3A_162 = vector.broadcast %add3A_161 : i32 to vector<16xi32>
    %add3A_163 = arith.addi %iota3A_160, %add3A_162 : vector<16xi32>
    %gather3A_164 = tpu.vector_load_idx %arg7[%add3A_163, %broadcast_in_dim3A_159] : memref<64x128xf32, #tpu.memory_space<vmem>>[vector<16xi32>, vector<16xi32>], vector<16xf32>,
    %swap3A_165 = arith.constant 64 : index
    %swap3A_166 = tpu.vector_load %arg14[%swap3A_165] {strides = array<i32>} : memref<512xf32, #tpu.memory_space<vmem>>, vector<16xf32>,
    tpu.vector_store %arg14[%swap3A_165], %gather3A_164 {strides = array<i32>} : memref<512xf32, #tpu.memory_space<vmem>>, vector<16xf32>,
    %iota3A_167 = tpu.iota {dimensions = array<i32: 0>} : vector<16xi32>
    %add3A_168 = arith.constant 16 : i32
    %add3A_169 = vector.broadcast %add3A_168 : i32 to vector<16xi32>
    %add3A_170 = arith.addi %iota3A_167, %add3A_169 : vector<16xi32>
    %gather3A_171 = tpu.vector_load_idx %arg7[%add3A_170, %broadcast_in_dim3A_159] : memref<64x128xf32, #tpu.memory_space<vmem>>[vector<16xi32>, vector<16xi32>], vector<16xf32>,
    %swap3A_172 = arith.constant 80 : index
    %swap3A_173 = tpu.vector_load %arg14[%swap3A_172] {strides = array<i32>} : memref<512xf32, #tpu.memory_space<vmem>>, vector<16xf32>,
    tpu.vector_store %arg14[%swap3A_172], %gather3A_171 {strides = array<i32>} : memref<512xf32, #tpu.memory_space<vmem>>, vector<16xf32>,
    %iota3A_174 = tpu.iota {dimensions = array<i32: 0>} : vector<16xi32>
    %add3A_175 = arith.constant 32 : i32
    %add3A_176 = vector.broadcast %add3A_175 : i32 to vector<16xi32>
    %add3A_177 = arith.addi %iota3A_174, %add3A_176 : vector<16xi32>
    %gather3A_178 = tpu.vector_load_idx %arg7[%add3A_177, %broadcast_in_dim3A_159] : memref<64x128xf32, #tpu.memory_space<vmem>>[vector<16xi32>, vector<16xi32>], vector<16xf32>,
    %swap3A_179 = arith.constant 96 : index
    %swap3A_180 = tpu.vector_load %arg14[%swap3A_179] {strides = array<i32>} : memref<512xf32, #tpu.memory_space<vmem>>, vector<16xf32>,
    tpu.vector_store %arg14[%swap3A_179], %gather3A_178 {strides = array<i32>} : memref<512xf32, #tpu.memory_space<vmem>>, vector<16xf32>,
    %iota3A_181 = tpu.iota {dimensions = array<i32: 0>} : vector<16xi32>
    %add3A_182 = arith.constant 48 : i32
    %add3A_183 = vector.broadcast %add3A_182 : i32 to vector<16xi32>
    %add3A_184 = arith.addi %iota3A_181, %add3A_183 : vector<16xi32>
    %gather3A_185 = tpu.vector_load_idx %arg7[%add3A_184, %broadcast_in_dim3A_159] : memref<64x128xf32, #tpu.memory_space<vmem>>[vector<16xi32>, vector<16xi32>], vector<16xf32>,
    %swap3A_186 = arith.constant 112 : index
    %swap3A_187 = tpu.vector_load %arg14[%swap3A_186] {strides = array<i32>} : memref<512xf32, #tpu.memory_space<vmem>>, vector<16xf32>,
    tpu.vector_store %arg14[%swap3A_186], %gather3A_185 {strides = array<i32>} : memref<512xf32, #tpu.memory_space<vmem>>, vector<16xf32>,
    %slice3A_188 = vector.extract_strided_slice %sub3A_30 {offsets = [2], sizes = [1], strides = [1]} : vector<16xi32> to vector<1xi32>
    %squeeze3A_189 = vector.extract %slice3A_188[0] : i32 from vector<1xi32>
    %broadcast_in_dim3A_190 = vector.broadcast %squeeze3A_189 : i32 to vector<16xi32>
    %iota3A_191 = tpu.iota {dimensions = array<i32: 0>} : vector<16xi32>
    %add3A_192 = arith.constant 0 : i32
    %add3A_193 = vector.broadcast %add3A_192 : i32 to vector<16xi32>
    %add3A_194 = arith.addi %iota3A_191, %add3A_193 : vector<16xi32>
    %gather3A_195 = tpu.vector_load_idx %arg8[%add3A_194, %broadcast_in_dim3A_190] : memref<64x128xf32, #tpu.memory_space<vmem>>[vector<16xi32>, vector<16xi32>], vector<16xf32>,
    %swap3A_196 = arith.constant 128 : index
    %swap3A_197 = tpu.vector_load %arg14[%swap3A_196] {strides = array<i32>} : memref<512xf32, #tpu.memory_space<vmem>>, vector<16xf32>,
    tpu.vector_store %arg14[%swap3A_196], %gather3A_195 {strides = array<i32>} : memref<512xf32, #tpu.memory_space<vmem>>, vector<16xf32>,
    %iota3A_198 = tpu.iota {dimensions = array<i32: 0>} : vector<16xi32>
    %add3A_199 = arith.constant 16 : i32
    %add3A_200 = vector.broadcast %add3A_199 : i32 to vector<16xi32>
    %add3A_201 = arith.addi %iota3A_198, %add3A_200 : vector<16xi32>
    %gather3A_202 = tpu.vector_load_idx %arg8[%add3A_201, %broadcast_in_dim3A_190] : memref<64x128xf32, #tpu.memory_space<vmem>>[vector<16xi32>, vector<16xi32>], vector<16xf32>,
    %swap3A_203 = arith.constant 144 : index
    %swap3A_204 = tpu.vector_load %arg14[%swap3A_203] {strides = array<i32>} : memref<512xf32, #tpu.memory_space<vmem>>, vector<16xf32>,
    tpu.vector_store %arg14[%swap3A_203], %gather3A_202 {strides = array<i32>} : memref<512xf32, #tpu.memory_space<vmem>>, vector<16xf32>,
    %iota3A_205 = tpu.iota {dimensions = array<i32: 0>} : vector<16xi32>
    %add3A_206 = arith.constant 32 : i32
    %add3A_207 = vector.broadcast %add3A_206 : i32 to vector<16xi32>
    %add3A_208 = arith.addi %iota3A_205, %add3A_207 : vector<16xi32>
    %gather3A_209 = tpu.vector_load_idx %arg8[%add3A_208, %broadcast_in_dim3A_190] : memref<64x128xf32, #tpu.memory_space<vmem>>[vector<16xi32>, vector<16xi32>], vector<16xf32>,
    %swap3A_210 = arith.constant 160 : index
    %swap3A_211 = tpu.vector_load %arg14[%swap3A_210] {strides = array<i32>} : memref<512xf32, #tpu.memory_space<vmem>>, vector<16xf32>,
    tpu.vector_store %arg14[%swap3A_210], %gather3A_209 {strides = array<i32>} : memref<512xf32, #tpu.memory_space<vmem>>, vector<16xf32>,
    %iota3A_212 = tpu.iota {dimensions = array<i32: 0>} : vector<16xi32>
    %add3A_213 = arith.constant 48 : i32
    %add3A_214 = vector.broadcast %add3A_213 : i32 to vector<16xi32>
    %add3A_215 = arith.addi %iota3A_212, %add3A_214 : vector<16xi32>
    %gather3A_216 = tpu.vector_load_idx %arg8[%add3A_215, %broadcast_in_dim3A_190] : memref<64x128xf32, #tpu.memory_space<vmem>>[vector<16xi32>, vector<16xi32>], vector<16xf32>,
    %swap3A_217 = arith.constant 176 : index
    %swap3A_218 = tpu.vector_load %arg14[%swap3A_217] {strides = array<i32>} : memref<512xf32, #tpu.memory_space<vmem>>, vector<16xf32>,
    tpu.vector_store %arg14[%swap3A_217], %gather3A_216 {strides = array<i32>} : memref<512xf32, #tpu.memory_space<vmem>>, vector<16xf32>,
    %slice3A_219 = vector.extract_strided_slice %sub3A_30 {offsets = [3], sizes = [1], strides = [1]} : vector<16xi32> to vector<1xi32>
    %squeeze3A_220 = vector.extract %slice3A_219[0] : i32 from vector<1xi32>
    %broadcast_in_dim3A_221 = vector.broadcast %squeeze3A_220 : i32 to vector<16xi32>
    %iota3A_222 = tpu.iota {dimensions = array<i32: 0>} : vector<16xi32>
    %add3A_223 = arith.constant 0 : i32
    %add3A_224 = vector.broadcast %add3A_223 : i32 to vector<16xi32>
    %add3A_225 = arith.addi %iota3A_222, %add3A_224 : vector<16xi32>
    %gather3A_226 = tpu.vector_load_idx %arg9[%add3A_225, %broadcast_in_dim3A_221] : memref<64x128xf32, #tpu.memory_space<vmem>>[vector<16xi32>, vector<16xi32>], vector<16xf32>,
    %swap3A_227 = arith.constant 192 : index
    %swap3A_228 = tpu.vector_load %arg14[%swap3A_227] {strides = array<i32>} : memref<512xf32, #tpu.memory_space<vmem>>, vector<16xf32>,
    tpu.vector_store %arg14[%swap3A_227], %gather3A_226 {strides = array<i32>} : memref<512xf32, #tpu.memory_space<vmem>>, vector<16xf32>,
    %iota3A_229 = tpu.iota {dimensions = array<i32: 0>} : vector<16xi32>
    %add3A_230 = arith.constant 16 : i32
    %add3A_231 = vector.broadcast %add3A_230 : i32 to vector<16xi32>
    %add3A_232 = arith.addi %iota3A_229, %add3A_231 : vector<16xi32>
    %gather3A_233 = tpu.vector_load_idx %arg9[%add3A_232, %broadcast_in_dim3A_221] : memref<64x128xf32, #tpu.memory_space<vmem>>[vector<16xi32>, vector<16xi32>], vector<16xf32>,
    %swap3A_234 = arith.constant 208 : index
    %swap3A_235 = tpu.vector_load %arg14[%swap3A_234] {strides = array<i32>} : memref<512xf32, #tpu.memory_space<vmem>>, vector<16xf32>,
    tpu.vector_store %arg14[%swap3A_234], %gather3A_233 {strides = array<i32>} : memref<512xf32, #tpu.memory_space<vmem>>, vector<16xf32>,
    %iota3A_236 = tpu.iota {dimensions = array<i32: 0>} : vector<16xi32>
    %add3A_237 = arith.constant 32 : i32
    %add3A_238 = vector.broadcast %add3A_237 : i32 to vector<16xi32>
    %add3A_239 = arith.addi %iota3A_236, %add3A_238 : vector<16xi32>
    %gather3A_240 = tpu.vector_load_idx %arg9[%add3A_239, %broadcast_in_dim3A_221] : memref<64x128xf32, #tpu.memory_space<vmem>>[vector<16xi32>, vector<16xi32>], vector<16xf32>,
    %swap3A_241 = arith.constant 224 : index
    %swap3A_242 = tpu.vector_load %arg14[%swap3A_241] {strides = array<i32>} : memref<512xf32, #tpu.memory_space<vmem>>, vector<16xf32>,
    tpu.vector_store %arg14[%swap3A_241], %gather3A_240 {strides = array<i32>} : memref<512xf32, #tpu.memory_space<vmem>>, vector<16xf32>,
    %iota3A_243 = tpu.iota {dimensions = array<i32: 0>} : vector<16xi32>
    %add3A_244 = arith.constant 48 : i32
    %add3A_245 = vector.broadcast %add3A_244 : i32 to vector<16xi32>
    %add3A_246 = arith.addi %iota3A_243, %add3A_245 : vector<16xi32>
    %gather3A_247 = tpu.vector_load_idx %arg9[%add3A_246, %broadcast_in_dim3A_221] : memref<64x128xf32, #tpu.memory_space<vmem>>[vector<16xi32>, vector<16xi32>], vector<16xf32>,
    %swap3A_248 = arith.constant 240 : index
    %swap3A_249 = tpu.vector_load %arg14[%swap3A_248] {strides = array<i32>} : memref<512xf32, #tpu.memory_space<vmem>>, vector<16xf32>,
    tpu.vector_store %arg14[%swap3A_248], %gather3A_247 {strides = array<i32>} : memref<512xf32, #tpu.memory_space<vmem>>, vector<16xf32>,
    %slice3A_250 = vector.extract_strided_slice %sub3A_30 {offsets = [4], sizes = [1], strides = [1]} : vector<16xi32> to vector<1xi32>
    %squeeze3A_251 = vector.extract %slice3A_250[0] : i32 from vector<1xi32>
    %broadcast_in_dim3A_252 = vector.broadcast %squeeze3A_251 : i32 to vector<16xi32>
    %iota3A_253 = tpu.iota {dimensions = array<i32: 0>} : vector<16xi32>
    %add3A_254 = arith.constant 0 : i32
    %add3A_255 = vector.broadcast %add3A_254 : i32 to vector<16xi32>
    %add3A_256 = arith.addi %iota3A_253, %add3A_255 : vector<16xi32>
    %gather3A_257 = tpu.vector_load_idx %arg10[%add3A_256, %broadcast_in_dim3A_252] : memref<64x128xf32, #tpu.memory_space<vmem>>[vector<16xi32>, vector<16xi32>], vector<16xf32>,
    %swap3A_258 = arith.constant 256 : index
    %swap3A_259 = tpu.vector_load %arg14[%swap3A_258] {strides = array<i32>} : memref<512xf32, #tpu.memory_space<vmem>>, vector<16xf32>,
    tpu.vector_store %arg14[%swap3A_258], %gather3A_257 {strides = array<i32>} : memref<512xf32, #tpu.memory_space<vmem>>, vector<16xf32>,
    %iota3A_260 = tpu.iota {dimensions = array<i32: 0>} : vector<16xi32>
    %add3A_261 = arith.constant 16 : i32
    %add3A_262 = vector.broadcast %add3A_261 : i32 to vector<16xi32>
    %add3A_263 = arith.addi %iota3A_260, %add3A_262 : vector<16xi32>
    %gather3A_264 = tpu.vector_load_idx %arg10[%add3A_263, %broadcast_in_dim3A_252] : memref<64x128xf32, #tpu.memory_space<vmem>>[vector<16xi32>, vector<16xi32>], vector<16xf32>,
    %swap3A_265 = arith.constant 272 : index
    %swap3A_266 = tpu.vector_load %arg14[%swap3A_265] {strides = array<i32>} : memref<512xf32, #tpu.memory_space<vmem>>, vector<16xf32>,
    tpu.vector_store %arg14[%swap3A_265], %gather3A_264 {strides = array<i32>} : memref<512xf32, #tpu.memory_space<vmem>>, vector<16xf32>,
    %iota3A_267 = tpu.iota {dimensions = array<i32: 0>} : vector<16xi32>
    %add3A_268 = arith.constant 32 : i32
    %add3A_269 = vector.broadcast %add3A_268 : i32 to vector<16xi32>
    %add3A_270 = arith.addi %iota3A_267, %add3A_269 : vector<16xi32>
    %gather3A_271 = tpu.vector_load_idx %arg10[%add3A_270, %broadcast_in_dim3A_252] : memref<64x128xf32, #tpu.memory_space<vmem>>[vector<16xi32>, vector<16xi32>], vector<16xf32>,
    %swap3A_272 = arith.constant 288 : index
    %swap3A_273 = tpu.vector_load %arg14[%swap3A_272] {strides = array<i32>} : memref<512xf32, #tpu.memory_space<vmem>>, vector<16xf32>,
    tpu.vector_store %arg14[%swap3A_272], %gather3A_271 {strides = array<i32>} : memref<512xf32, #tpu.memory_space<vmem>>, vector<16xf32>,
    %iota3A_274 = tpu.iota {dimensions = array<i32: 0>} : vector<16xi32>
    %add3A_275 = arith.constant 48 : i32
    %add3A_276 = vector.broadcast %add3A_275 : i32 to vector<16xi32>
    %add3A_277 = arith.addi %iota3A_274, %add3A_276 : vector<16xi32>
    %gather3A_278 = tpu.vector_load_idx %arg10[%add3A_277, %broadcast_in_dim3A_252] : memref<64x128xf32, #tpu.memory_space<vmem>>[vector<16xi32>, vector<16xi32>], vector<16xf32>,
    %swap3A_279 = arith.constant 304 : index
    %swap3A_280 = tpu.vector_load %arg14[%swap3A_279] {strides = array<i32>} : memref<512xf32, #tpu.memory_space<vmem>>, vector<16xf32>,
    tpu.vector_store %arg14[%swap3A_279], %gather3A_278 {strides = array<i32>} : memref<512xf32, #tpu.memory_space<vmem>>, vector<16xf32>,
    %slice3A_281 = vector.extract_strided_slice %sub3A_30 {offsets = [5], sizes = [1], strides = [1]} : vector<16xi32> to vector<1xi32>
    %squeeze3A_282 = vector.extract %slice3A_281[0] : i32 from vector<1xi32>
    %broadcast_in_dim3A_283 = vector.broadcast %squeeze3A_282 : i32 to vector<16xi32>
    %iota3A_284 = tpu.iota {dimensions = array<i32: 0>} : vector<16xi32>
    %add3A_285 = arith.constant 0 : i32
    %add3A_286 = vector.broadcast %add3A_285 : i32 to vector<16xi32>
    %add3A_287 = arith.addi %iota3A_284, %add3A_286 : vector<16xi32>
    %gather3A_288 = tpu.vector_load_idx %arg11[%add3A_287, %broadcast_in_dim3A_283] : memref<64x128xf32, #tpu.memory_space<vmem>>[vector<16xi32>, vector<16xi32>], vector<16xf32>,
    %swap3A_289 = arith.constant 320 : index
    %swap3A_290 = tpu.vector_load %arg14[%swap3A_289] {strides = array<i32>} : memref<512xf32, #tpu.memory_space<vmem>>, vector<16xf32>,
    tpu.vector_store %arg14[%swap3A_289], %gather3A_288 {strides = array<i32>} : memref<512xf32, #tpu.memory_space<vmem>>, vector<16xf32>,
    %iota3A_291 = tpu.iota {dimensions = array<i32: 0>} : vector<16xi32>
    %add3A_292 = arith.constant 16 : i32
    %add3A_293 = vector.broadcast %add3A_292 : i32 to vector<16xi32>
    %add3A_294 = arith.addi %iota3A_291, %add3A_293 : vector<16xi32>
    %gather3A_295 = tpu.vector_load_idx %arg11[%add3A_294, %broadcast_in_dim3A_283] : memref<64x128xf32, #tpu.memory_space<vmem>>[vector<16xi32>, vector<16xi32>], vector<16xf32>,
    %swap3A_296 = arith.constant 336 : index
    %swap3A_297 = tpu.vector_load %arg14[%swap3A_296] {strides = array<i32>} : memref<512xf32, #tpu.memory_space<vmem>>, vector<16xf32>,
    tpu.vector_store %arg14[%swap3A_296], %gather3A_295 {strides = array<i32>} : memref<512xf32, #tpu.memory_space<vmem>>, vector<16xf32>,
    %iota3A_298 = tpu.iota {dimensions = array<i32: 0>} : vector<16xi32>
    %add3A_299 = arith.constant 32 : i32
    %add3A_300 = vector.broadcast %add3A_299 : i32 to vector<16xi32>
    %add3A_301 = arith.addi %iota3A_298, %add3A_300 : vector<16xi32>
    %gather3A_302 = tpu.vector_load_idx %arg11[%add3A_301, %broadcast_in_dim3A_283] : memref<64x128xf32, #tpu.memory_space<vmem>>[vector<16xi32>, vector<16xi32>], vector<16xf32>,
    %swap3A_303 = arith.constant 352 : index
    %swap3A_304 = tpu.vector_load %arg14[%swap3A_303] {strides = array<i32>} : memref<512xf32, #tpu.memory_space<vmem>>, vector<16xf32>,
    tpu.vector_store %arg14[%swap3A_303], %gather3A_302 {strides = array<i32>} : memref<512xf32, #tpu.memory_space<vmem>>, vector<16xf32>,
    %iota3A_305 = tpu.iota {dimensions = array<i32: 0>} : vector<16xi32>
    %add3A_306 = arith.constant 48 : i32
    %add3A_307 = vector.broadcast %add3A_306 : i32 to vector<16xi32>
    %add3A_308 = arith.addi %iota3A_305, %add3A_307 : vector<16xi32>
    %gather3A_309 = tpu.vector_load_idx %arg11[%add3A_308, %broadcast_in_dim3A_283] : memref<64x128xf32, #tpu.memory_space<vmem>>[vector<16xi32>, vector<16xi32>], vector<16xf32>,
    %swap3A_310 = arith.constant 368 : index
    %swap3A_311 = tpu.vector_load %arg14[%swap3A_310] {strides = array<i32>} : memref<512xf32, #tpu.memory_space<vmem>>, vector<16xf32>,
    tpu.vector_store %arg14[%swap3A_310], %gather3A_309 {strides = array<i32>} : memref<512xf32, #tpu.memory_space<vmem>>, vector<16xf32>,
    %slice3A_312 = vector.extract_strided_slice %sub3A_30 {offsets = [6], sizes = [1], strides = [1]} : vector<16xi32> to vector<1xi32>
    %squeeze3A_313 = vector.extract %slice3A_312[0] : i32 from vector<1xi32>
    %broadcast_in_dim3A_314 = vector.broadcast %squeeze3A_313 : i32 to vector<16xi32>
    %iota3A_315 = tpu.iota {dimensions = array<i32: 0>} : vector<16xi32>
    %add3A_316 = arith.constant 0 : i32
    %add3A_317 = vector.broadcast %add3A_316 : i32 to vector<16xi32>
    %add3A_318 = arith.addi %iota3A_315, %add3A_317 : vector<16xi32>
    %gather3A_319 = tpu.vector_load_idx %arg12[%add3A_318, %broadcast_in_dim3A_314] : memref<64x128xf32, #tpu.memory_space<vmem>>[vector<16xi32>, vector<16xi32>], vector<16xf32>,
    %swap3A_320 = arith.constant 384 : index
    %swap3A_321 = tpu.vector_load %arg14[%swap3A_320] {strides = array<i32>} : memref<512xf32, #tpu.memory_space<vmem>>, vector<16xf32>,
    tpu.vector_store %arg14[%swap3A_320], %gather3A_319 {strides = array<i32>} : memref<512xf32, #tpu.memory_space<vmem>>, vector<16xf32>,
    %iota3A_322 = tpu.iota {dimensions = array<i32: 0>} : vector<16xi32>
    %add3A_323 = arith.constant 16 : i32
    %add3A_324 = vector.broadcast %add3A_323 : i32 to vector<16xi32>
    %add3A_325 = arith.addi %iota3A_322, %add3A_324 : vector<16xi32>
    %gather3A_326 = tpu.vector_load_idx %arg12[%add3A_325, %broadcast_in_dim3A_314] : memref<64x128xf32, #tpu.memory_space<vmem>>[vector<16xi32>, vector<16xi32>], vector<16xf32>,
    %swap3A_327 = arith.constant 400 : index
    %swap3A_328 = tpu.vector_load %arg14[%swap3A_327] {strides = array<i32>} : memref<512xf32, #tpu.memory_space<vmem>>, vector<16xf32>,
    tpu.vector_store %arg14[%swap3A_327], %gather3A_326 {strides = array<i32>} : memref<512xf32, #tpu.memory_space<vmem>>, vector<16xf32>,
    %iota3A_329 = tpu.iota {dimensions = array<i32: 0>} : vector<16xi32>
    %add3A_330 = arith.constant 32 : i32
    %add3A_331 = vector.broadcast %add3A_330 : i32 to vector<16xi32>
    %add3A_332 = arith.addi %iota3A_329, %add3A_331 : vector<16xi32>
    %gather3A_333 = tpu.vector_load_idx %arg12[%add3A_332, %broadcast_in_dim3A_314] : memref<64x128xf32, #tpu.memory_space<vmem>>[vector<16xi32>, vector<16xi32>], vector<16xf32>,
    %swap3A_334 = arith.constant 416 : index
    %swap3A_335 = tpu.vector_load %arg14[%swap3A_334] {strides = array<i32>} : memref<512xf32, #tpu.memory_space<vmem>>, vector<16xf32>,
    tpu.vector_store %arg14[%swap3A_334], %gather3A_333 {strides = array<i32>} : memref<512xf32, #tpu.memory_space<vmem>>, vector<16xf32>,
    %iota3A_336 = tpu.iota {dimensions = array<i32: 0>} : vector<16xi32>
    %add3A_337 = arith.constant 48 : i32
    %add3A_338 = vector.broadcast %add3A_337 : i32 to vector<16xi32>
    %add3A_339 = arith.addi %iota3A_336, %add3A_338 : vector<16xi32>
    %gather3A_340 = tpu.vector_load_idx %arg12[%add3A_339, %broadcast_in_dim3A_314] : memref<64x128xf32, #tpu.memory_space<vmem>>[vector<16xi32>, vector<16xi32>], vector<16xf32>,
    %swap3A_341 = arith.constant 432 : index
    %swap3A_342 = tpu.vector_load %arg14[%swap3A_341] {strides = array<i32>} : memref<512xf32, #tpu.memory_space<vmem>>, vector<16xf32>,
    tpu.vector_store %arg14[%swap3A_341], %gather3A_340 {strides = array<i32>} : memref<512xf32, #tpu.memory_space<vmem>>, vector<16xf32>,
    %slice3A_343 = vector.extract_strided_slice %sub3A_30 {offsets = [7], sizes = [1], strides = [1]} : vector<16xi32> to vector<1xi32>
    %squeeze3A_344 = vector.extract %slice3A_343[0] : i32 from vector<1xi32>
    %broadcast_in_dim3A_345 = vector.broadcast %squeeze3A_344 : i32 to vector<16xi32>
    %iota3A_346 = tpu.iota {dimensions = array<i32: 0>} : vector<16xi32>
    %add3A_347 = arith.constant 0 : i32
    %add3A_348 = vector.broadcast %add3A_347 : i32 to vector<16xi32>
    %add3A_349 = arith.addi %iota3A_346, %add3A_348 : vector<16xi32>
    %gather3A_350 = tpu.vector_load_idx %arg13[%add3A_349, %broadcast_in_dim3A_345] : memref<64x128xf32, #tpu.memory_space<vmem>>[vector<16xi32>, vector<16xi32>], vector<16xf32>,
    %swap3A_351 = arith.constant 448 : index
    %swap3A_352 = tpu.vector_load %arg14[%swap3A_351] {strides = array<i32>} : memref<512xf32, #tpu.memory_space<vmem>>, vector<16xf32>,
    tpu.vector_store %arg14[%swap3A_351], %gather3A_350 {strides = array<i32>} : memref<512xf32, #tpu.memory_space<vmem>>, vector<16xf32>,
    %iota3A_353 = tpu.iota {dimensions = array<i32: 0>} : vector<16xi32>
    %add3A_354 = arith.constant 16 : i32
    %add3A_355 = vector.broadcast %add3A_354 : i32 to vector<16xi32>
    %add3A_356 = arith.addi %iota3A_353, %add3A_355 : vector<16xi32>
    %gather3A_357 = tpu.vector_load_idx %arg13[%add3A_356, %broadcast_in_dim3A_345] : memref<64x128xf32, #tpu.memory_space<vmem>>[vector<16xi32>, vector<16xi32>], vector<16xf32>,
    %swap3A_358 = arith.constant 464 : index
    %swap3A_359 = tpu.vector_load %arg14[%swap3A_358] {strides = array<i32>} : memref<512xf32, #tpu.memory_space<vmem>>, vector<16xf32>,
    tpu.vector_store %arg14[%swap3A_358], %gather3A_357 {strides = array<i32>} : memref<512xf32, #tpu.memory_space<vmem>>, vector<16xf32>,
    %iota3A_360 = tpu.iota {dimensions = array<i32: 0>} : vector<16xi32>
    %add3A_361 = arith.constant 32 : i32
    %add3A_362 = vector.broadcast %add3A_361 : i32 to vector<16xi32>
    %add3A_363 = arith.addi %iota3A_360, %add3A_362 : vector<16xi32>
    %gather3A_364 = tpu.vector_load_idx %arg13[%add3A_363, %broadcast_in_dim3A_345] : memref<64x128xf32, #tpu.memory_space<vmem>>[vector<16xi32>, vector<16xi32>], vector<16xf32>,
    %swap3A_365 = arith.constant 480 : index
    %swap3A_366 = tpu.vector_load %arg14[%swap3A_365] {strides = array<i32>} : memref<512xf32, #tpu.memory_space<vmem>>, vector<16xf32>,
    tpu.vector_store %arg14[%swap3A_365], %gather3A_364 {strides = array<i32>} : memref<512xf32, #tpu.memory_space<vmem>>, vector<16xf32>,
    %iota3A_367 = tpu.iota {dimensions = array<i32: 0>} : vector<16xi32>
    %add3A_368 = arith.constant 48 : i32
    %add3A_369 = vector.broadcast %add3A_368 : i32 to vector<16xi32>
    %add3A_370 = arith.addi %iota3A_367, %add3A_369 : vector<16xi32>
    %gather3A_371 = tpu.vector_load_idx %arg13[%add3A_370, %broadcast_in_dim3A_345] : memref<64x128xf32, #tpu.memory_space<vmem>>[vector<16xi32>, vector<16xi32>], vector<16xf32>,
    %swap3A_372 = arith.constant 496 : index
    %swap3A_373 = tpu.vector_load %arg14[%swap3A_372] {strides = array<i32>} : memref<512xf32, #tpu.memory_space<vmem>>, vector<16xf32>,
    tpu.vector_store %arg14[%swap3A_372], %gather3A_371 {strides = array<i32>} : memref<512xf32, #tpu.memory_space<vmem>>, vector<16xf32>,
    "tpu.region"() ({
      %run_scoped3A = tpu.sem_alloc : memref<!tpu.dma_semaphore, #tpu.memory_space<semaphore_mem>>
      %dma_start3A_374 = arith.constant 0 : i32
      %dma_start3A_375 = tpu.memref_slice %arg4[%add3A, %dma_start3A_374] : memref<32x512xf32, #tpu.memory_space<hbm>> -> memref<1x512xf32, #tpu.memory_space<hbm>>
      %dma_start3A_376 = tpu.memref_squeeze %dma_start3A_375 : memref<1x512xf32, #tpu.memory_space<hbm>> -> memref<512xf32, #tpu.memory_space<hbm>>
      %dma_start3A_377 = arith.constant 0 : i32
      %dma_start3A_378 = tpu.memref_slice %arg4[%add3A, %dma_start3A_377] : memref<32x512xf32, #tpu.memory_space<hbm>> -> memref<1x512xf32, #tpu.memory_space<hbm>>
      %dma_start3A_379 = tpu.memref_squeeze %dma_start3A_378 : memref<1x512xf32, #tpu.memory_space<hbm>> -> memref<512xf32, #tpu.memory_space<hbm>>
      tpu.enqueue_dma source(%arg14 : memref<512xf32, #tpu.memory_space<vmem>>) target(%dma_start3A_379 : memref<512xf32, #tpu.memory_space<hbm>>) target_semaphore(%run_scoped3A : memref<!tpu.dma_semaphore, #tpu.memory_space<semaphore_mem>>)
      %dma_wait3A_380 = arith.constant 0 : i32
      %dma_wait3A_381 = tpu.memref_slice %arg4[%add3A, %dma_wait3A_380] : memref<32x512xf32, #tpu.memory_space<hbm>> -> memref<1x512xf32, #tpu.memory_space<hbm>>
      %dma_wait3A_382 = tpu.memref_squeeze %dma_wait3A_381 : memref<1x512xf32, #tpu.memory_space<hbm>> -> memref<512xf32, #tpu.memory_space<hbm>>
      %dma_wait3A_383 = arith.constant 0 : i32
      %dma_wait3A_384 = tpu.memref_slice %arg4[%add3A, %dma_wait3A_383] : memref<32x512xf32, #tpu.memory_space<hbm>> -> memref<1x512xf32, #tpu.memory_space<hbm>>
      %dma_wait3A_385 = tpu.memref_squeeze %dma_wait3A_384 : memref<1x512xf32, #tpu.memory_space<hbm>> -> memref<512xf32, #tpu.memory_space<hbm>>
      tpu.wait_dma2 semaphore(%run_scoped3A : memref<!tpu.dma_semaphore, #tpu.memory_space<semaphore_mem>>) src(%arg14 : memref<512xf32, #tpu.memory_space<vmem>>) dst(%dma_wait3A_385 : memref<512xf32, #tpu.memory_space<hbm>>)
      tpu.yield
    }) : () -> ()
    return
  }
}

module attributes {stable_mosaic.version = 14 : i64} {
  func.func @_tc_body(%arg0: i32, %arg1: memref<336x64xf32, #tpu.memory_space<vmem>>, %arg2: memref<336x64xf32, #tpu.memory_space<vmem>>, %arg3: memref<64x256xf32, #tpu.memory_space<vmem>>, %arg4: memref<64x1xi32, #tpu.memory_space<vmem>>, %arg5: memref<64x1xi32, #tpu.memory_space<vmem>>, %arg6: memref<64x1xf32, #tpu.memory_space<vmem>>, %arg7: memref<64x256xf32, #tpu.memory_space<vmem>>) attributes {dimension_semantics = [#tpu.dimension_semantics<arbitrary>], iteration_bounds = array<i64: 6>, scalar_prefetch = 0 : i64, scratch_operands = 0 : i64, tpu.core_type = #tpu.core_type<tc>, window_params = [{transform_indices = @transform_0, window_bounds = array<i64: 336, 64>}, {transform_indices = @transform_1, window_bounds = array<i64: 336, 64>}, {pipeline_mode = #tpu.pipeline_mode<synchronous>, transform_indices = @transform_2, window_bounds = array<i64: 64, 256>}, {pipeline_mode = #tpu.pipeline_mode<synchronous>, transform_indices = @transform_3, window_bounds = array<i64: 64, 1>}, {pipeline_mode = #tpu.pipeline_mode<synchronous>, transform_indices = @transform_4, window_bounds = array<i64: 64, 1>}, {pipeline_mode = #tpu.pipeline_mode<synchronous>, transform_indices = @transform_5, window_bounds = array<i64: 64, 1>}, {pipeline_mode = #tpu.pipeline_mode<synchronous>, transform_indices = @transform_6, window_bounds = array<i64: 64, 256>}]} {
    %get3A = arith.constant 0 : index
    %get3A_0 = arith.constant 0 : index
    %get3A_1 = vector.load %arg1[%get3A, %get3A_0] : memref<336x64xf32, #tpu.memory_space<vmem>>, vector<336x64xf32>
    %get3A_2 = arith.constant 0 : index
    %get3A_3 = arith.constant 0 : index
    %get3A_4 = vector.load %arg2[%get3A_2, %get3A_3] : memref<336x64xf32, #tpu.memory_space<vmem>>, vector<336x64xf32>
    %add3A = arith.addf %get3A_1, %get3A_4 : vector<336x64xf32>
    %broadcast_in_dim3A = arith.constant 0.000000e+00 : f32
    %broadcast_in_dim3A_5 = vector.broadcast %broadcast_in_dim3A : f32 to vector<336x256xf32>
    %slice3A = vector.extract_strided_slice %add3A {offsets = [0, 0], sizes = [336, 1], strides = [1, 1]} : vector<336x64xf32> to vector<336x1xf32>
    %get3A_6 = arith.constant 0 : index
    %get3A_7 = arith.constant 0 : index
    %get3A_8 = vector.load %arg3[%get3A_6, %get3A_7] : memref<64x256xf32, #tpu.memory_space<vmem>>, vector<1x256xf32>
    %sub3A = vector.broadcast %slice3A : vector<336x1xf32> to vector<336x256xf32>
    %sub3A_9 = vector.broadcast %get3A_8 : vector<1x256xf32> to vector<336x256xf32>
    %sub3A_10 = arith.subf %sub3A, %sub3A_9 : vector<336x256xf32>
    %abs3A = math.absf %sub3A_10 : vector<336x256xf32>
    %add3A_11 = arith.addf %broadcast_in_dim3A_5, %abs3A : vector<336x256xf32>
    %slice3A_12 = vector.extract_strided_slice %add3A {offsets = [0, 1], sizes = [336, 1], strides = [1, 1]} : vector<336x64xf32> to vector<336x1xf32>
    %get3A_13 = arith.constant 1 : index
    %get3A_14 = arith.constant 0 : index
    %get3A_15 = vector.load %arg3[%get3A_13, %get3A_14] : memref<64x256xf32, #tpu.memory_space<vmem>>, vector<1x256xf32>
    %sub3A_16 = vector.broadcast %slice3A_12 : vector<336x1xf32> to vector<336x256xf32>
    %sub3A_17 = vector.broadcast %get3A_15 : vector<1x256xf32> to vector<336x256xf32>
    %sub3A_18 = arith.subf %sub3A_16, %sub3A_17 : vector<336x256xf32>
    %abs3A_19 = math.absf %sub3A_18 : vector<336x256xf32>
    %add3A_20 = arith.addf %add3A_11, %abs3A_19 : vector<336x256xf32>
    %slice3A_21 = vector.extract_strided_slice %add3A {offsets = [0, 2], sizes = [336, 1], strides = [1, 1]} : vector<336x64xf32> to vector<336x1xf32>
    %get3A_22 = arith.constant 2 : index
    %get3A_23 = arith.constant 0 : index
    %get3A_24 = vector.load %arg3[%get3A_22, %get3A_23] : memref<64x256xf32, #tpu.memory_space<vmem>>, vector<1x256xf32>
    %sub3A_25 = vector.broadcast %slice3A_21 : vector<336x1xf32> to vector<336x256xf32>
    %sub3A_26 = vector.broadcast %get3A_24 : vector<1x256xf32> to vector<336x256xf32>
    %sub3A_27 = arith.subf %sub3A_25, %sub3A_26 : vector<336x256xf32>
    %abs3A_28 = math.absf %sub3A_27 : vector<336x256xf32>
    %add3A_29 = arith.addf %add3A_20, %abs3A_28 : vector<336x256xf32>
    %slice3A_30 = vector.extract_strided_slice %add3A {offsets = [0, 3], sizes = [336, 1], strides = [1, 1]} : vector<336x64xf32> to vector<336x1xf32>
    %get3A_31 = arith.constant 3 : index
    %get3A_32 = arith.constant 0 : index
    %get3A_33 = vector.load %arg3[%get3A_31, %get3A_32] : memref<64x256xf32, #tpu.memory_space<vmem>>, vector<1x256xf32>
    %sub3A_34 = vector.broadcast %slice3A_30 : vector<336x1xf32> to vector<336x256xf32>
    %sub3A_35 = vector.broadcast %get3A_33 : vector<1x256xf32> to vector<336x256xf32>
    %sub3A_36 = arith.subf %sub3A_34, %sub3A_35 : vector<336x256xf32>
    %abs3A_37 = math.absf %sub3A_36 : vector<336x256xf32>
    %add3A_38 = arith.addf %add3A_29, %abs3A_37 : vector<336x256xf32>
    %slice3A_39 = vector.extract_strided_slice %add3A {offsets = [0, 4], sizes = [336, 1], strides = [1, 1]} : vector<336x64xf32> to vector<336x1xf32>
    %get3A_40 = arith.constant 4 : index
    %get3A_41 = arith.constant 0 : index
    %get3A_42 = vector.load %arg3[%get3A_40, %get3A_41] : memref<64x256xf32, #tpu.memory_space<vmem>>, vector<1x256xf32>
    %sub3A_43 = vector.broadcast %slice3A_39 : vector<336x1xf32> to vector<336x256xf32>
    %sub3A_44 = vector.broadcast %get3A_42 : vector<1x256xf32> to vector<336x256xf32>
    %sub3A_45 = arith.subf %sub3A_43, %sub3A_44 : vector<336x256xf32>
    %abs3A_46 = math.absf %sub3A_45 : vector<336x256xf32>
    %add3A_47 = arith.addf %add3A_38, %abs3A_46 : vector<336x256xf32>
    %slice3A_48 = vector.extract_strided_slice %add3A {offsets = [0, 5], sizes = [336, 1], strides = [1, 1]} : vector<336x64xf32> to vector<336x1xf32>
    %get3A_49 = arith.constant 5 : index
    %get3A_50 = arith.constant 0 : index
    %get3A_51 = vector.load %arg3[%get3A_49, %get3A_50] : memref<64x256xf32, #tpu.memory_space<vmem>>, vector<1x256xf32>
    %sub3A_52 = vector.broadcast %slice3A_48 : vector<336x1xf32> to vector<336x256xf32>
    %sub3A_53 = vector.broadcast %get3A_51 : vector<1x256xf32> to vector<336x256xf32>
    %sub3A_54 = arith.subf %sub3A_52, %sub3A_53 : vector<336x256xf32>
    %abs3A_55 = math.absf %sub3A_54 : vector<336x256xf32>
    %add3A_56 = arith.addf %add3A_47, %abs3A_55 : vector<336x256xf32>
    %slice3A_57 = vector.extract_strided_slice %add3A {offsets = [0, 6], sizes = [336, 1], strides = [1, 1]} : vector<336x64xf32> to vector<336x1xf32>
    %get3A_58 = arith.constant 6 : index
    %get3A_59 = arith.constant 0 : index
    %get3A_60 = vector.load %arg3[%get3A_58, %get3A_59] : memref<64x256xf32, #tpu.memory_space<vmem>>, vector<1x256xf32>
    %sub3A_61 = vector.broadcast %slice3A_57 : vector<336x1xf32> to vector<336x256xf32>
    %sub3A_62 = vector.broadcast %get3A_60 : vector<1x256xf32> to vector<336x256xf32>
    %sub3A_63 = arith.subf %sub3A_61, %sub3A_62 : vector<336x256xf32>
    %abs3A_64 = math.absf %sub3A_63 : vector<336x256xf32>
    %add3A_65 = arith.addf %add3A_56, %abs3A_64 : vector<336x256xf32>
    %slice3A_66 = vector.extract_strided_slice %add3A {offsets = [0, 7], sizes = [336, 1], strides = [1, 1]} : vector<336x64xf32> to vector<336x1xf32>
    %get3A_67 = arith.constant 7 : index
    %get3A_68 = arith.constant 0 : index
    %get3A_69 = vector.load %arg3[%get3A_67, %get3A_68] : memref<64x256xf32, #tpu.memory_space<vmem>>, vector<1x256xf32>
    %sub3A_70 = vector.broadcast %slice3A_66 : vector<336x1xf32> to vector<336x256xf32>
    %sub3A_71 = vector.broadcast %get3A_69 : vector<1x256xf32> to vector<336x256xf32>
    %sub3A_72 = arith.subf %sub3A_70, %sub3A_71 : vector<336x256xf32>
    %abs3A_73 = math.absf %sub3A_72 : vector<336x256xf32>
    %add3A_74 = arith.addf %add3A_65, %abs3A_73 : vector<336x256xf32>
    %slice3A_75 = vector.extract_strided_slice %add3A {offsets = [0, 8], sizes = [336, 1], strides = [1, 1]} : vector<336x64xf32> to vector<336x1xf32>
    %get3A_76 = arith.constant 8 : index
    %get3A_77 = arith.constant 0 : index
    %get3A_78 = vector.load %arg3[%get3A_76, %get3A_77] : memref<64x256xf32, #tpu.memory_space<vmem>>, vector<1x256xf32>
    %sub3A_79 = vector.broadcast %slice3A_75 : vector<336x1xf32> to vector<336x256xf32>
    %sub3A_80 = vector.broadcast %get3A_78 : vector<1x256xf32> to vector<336x256xf32>
    %sub3A_81 = arith.subf %sub3A_79, %sub3A_80 : vector<336x256xf32>
    %abs3A_82 = math.absf %sub3A_81 : vector<336x256xf32>
    %add3A_83 = arith.addf %add3A_74, %abs3A_82 : vector<336x256xf32>
    %slice3A_84 = vector.extract_strided_slice %add3A {offsets = [0, 9], sizes = [336, 1], strides = [1, 1]} : vector<336x64xf32> to vector<336x1xf32>
    %get3A_85 = arith.constant 9 : index
    %get3A_86 = arith.constant 0 : index
    %get3A_87 = vector.load %arg3[%get3A_85, %get3A_86] : memref<64x256xf32, #tpu.memory_space<vmem>>, vector<1x256xf32>
    %sub3A_88 = vector.broadcast %slice3A_84 : vector<336x1xf32> to vector<336x256xf32>
    %sub3A_89 = vector.broadcast %get3A_87 : vector<1x256xf32> to vector<336x256xf32>
    %sub3A_90 = arith.subf %sub3A_88, %sub3A_89 : vector<336x256xf32>
    %abs3A_91 = math.absf %sub3A_90 : vector<336x256xf32>
    %add3A_92 = arith.addf %add3A_83, %abs3A_91 : vector<336x256xf32>
    %slice3A_93 = vector.extract_strided_slice %add3A {offsets = [0, 10], sizes = [336, 1], strides = [1, 1]} : vector<336x64xf32> to vector<336x1xf32>
    %get3A_94 = arith.constant 10 : index
    %get3A_95 = arith.constant 0 : index
    %get3A_96 = vector.load %arg3[%get3A_94, %get3A_95] : memref<64x256xf32, #tpu.memory_space<vmem>>, vector<1x256xf32>
    %sub3A_97 = vector.broadcast %slice3A_93 : vector<336x1xf32> to vector<336x256xf32>
    %sub3A_98 = vector.broadcast %get3A_96 : vector<1x256xf32> to vector<336x256xf32>
    %sub3A_99 = arith.subf %sub3A_97, %sub3A_98 : vector<336x256xf32>
    %abs3A_100 = math.absf %sub3A_99 : vector<336x256xf32>
    %add3A_101 = arith.addf %add3A_92, %abs3A_100 : vector<336x256xf32>
    %slice3A_102 = vector.extract_strided_slice %add3A {offsets = [0, 11], sizes = [336, 1], strides = [1, 1]} : vector<336x64xf32> to vector<336x1xf32>
    %get3A_103 = arith.constant 11 : index
    %get3A_104 = arith.constant 0 : index
    %get3A_105 = vector.load %arg3[%get3A_103, %get3A_104] : memref<64x256xf32, #tpu.memory_space<vmem>>, vector<1x256xf32>
    %sub3A_106 = vector.broadcast %slice3A_102 : vector<336x1xf32> to vector<336x256xf32>
    %sub3A_107 = vector.broadcast %get3A_105 : vector<1x256xf32> to vector<336x256xf32>
    %sub3A_108 = arith.subf %sub3A_106, %sub3A_107 : vector<336x256xf32>
    %abs3A_109 = math.absf %sub3A_108 : vector<336x256xf32>
    %add3A_110 = arith.addf %add3A_101, %abs3A_109 : vector<336x256xf32>
    %slice3A_111 = vector.extract_strided_slice %add3A {offsets = [0, 12], sizes = [336, 1], strides = [1, 1]} : vector<336x64xf32> to vector<336x1xf32>
    %get3A_112 = arith.constant 12 : index
    %get3A_113 = arith.constant 0 : index
    %get3A_114 = vector.load %arg3[%get3A_112, %get3A_113] : memref<64x256xf32, #tpu.memory_space<vmem>>, vector<1x256xf32>
    %sub3A_115 = vector.broadcast %slice3A_111 : vector<336x1xf32> to vector<336x256xf32>
    %sub3A_116 = vector.broadcast %get3A_114 : vector<1x256xf32> to vector<336x256xf32>
    %sub3A_117 = arith.subf %sub3A_115, %sub3A_116 : vector<336x256xf32>
    %abs3A_118 = math.absf %sub3A_117 : vector<336x256xf32>
    %add3A_119 = arith.addf %add3A_110, %abs3A_118 : vector<336x256xf32>
    %slice3A_120 = vector.extract_strided_slice %add3A {offsets = [0, 13], sizes = [336, 1], strides = [1, 1]} : vector<336x64xf32> to vector<336x1xf32>
    %get3A_121 = arith.constant 13 : index
    %get3A_122 = arith.constant 0 : index
    %get3A_123 = vector.load %arg3[%get3A_121, %get3A_122] : memref<64x256xf32, #tpu.memory_space<vmem>>, vector<1x256xf32>
    %sub3A_124 = vector.broadcast %slice3A_120 : vector<336x1xf32> to vector<336x256xf32>
    %sub3A_125 = vector.broadcast %get3A_123 : vector<1x256xf32> to vector<336x256xf32>
    %sub3A_126 = arith.subf %sub3A_124, %sub3A_125 : vector<336x256xf32>
    %abs3A_127 = math.absf %sub3A_126 : vector<336x256xf32>
    %add3A_128 = arith.addf %add3A_119, %abs3A_127 : vector<336x256xf32>
    %slice3A_129 = vector.extract_strided_slice %add3A {offsets = [0, 14], sizes = [336, 1], strides = [1, 1]} : vector<336x64xf32> to vector<336x1xf32>
    %get3A_130 = arith.constant 14 : index
    %get3A_131 = arith.constant 0 : index
    %get3A_132 = vector.load %arg3[%get3A_130, %get3A_131] : memref<64x256xf32, #tpu.memory_space<vmem>>, vector<1x256xf32>
    %sub3A_133 = vector.broadcast %slice3A_129 : vector<336x1xf32> to vector<336x256xf32>
    %sub3A_134 = vector.broadcast %get3A_132 : vector<1x256xf32> to vector<336x256xf32>
    %sub3A_135 = arith.subf %sub3A_133, %sub3A_134 : vector<336x256xf32>
    %abs3A_136 = math.absf %sub3A_135 : vector<336x256xf32>
    %add3A_137 = arith.addf %add3A_128, %abs3A_136 : vector<336x256xf32>
    %slice3A_138 = vector.extract_strided_slice %add3A {offsets = [0, 15], sizes = [336, 1], strides = [1, 1]} : vector<336x64xf32> to vector<336x1xf32>
    %get3A_139 = arith.constant 15 : index
    %get3A_140 = arith.constant 0 : index
    %get3A_141 = vector.load %arg3[%get3A_139, %get3A_140] : memref<64x256xf32, #tpu.memory_space<vmem>>, vector<1x256xf32>
    %sub3A_142 = vector.broadcast %slice3A_138 : vector<336x1xf32> to vector<336x256xf32>
    %sub3A_143 = vector.broadcast %get3A_141 : vector<1x256xf32> to vector<336x256xf32>
    %sub3A_144 = arith.subf %sub3A_142, %sub3A_143 : vector<336x256xf32>
    %abs3A_145 = math.absf %sub3A_144 : vector<336x256xf32>
    %add3A_146 = arith.addf %add3A_137, %abs3A_145 : vector<336x256xf32>
    %slice3A_147 = vector.extract_strided_slice %add3A {offsets = [0, 16], sizes = [336, 1], strides = [1, 1]} : vector<336x64xf32> to vector<336x1xf32>
    %get3A_148 = arith.constant 16 : index
    %get3A_149 = arith.constant 0 : index
    %get3A_150 = vector.load %arg3[%get3A_148, %get3A_149] : memref<64x256xf32, #tpu.memory_space<vmem>>, vector<1x256xf32>
    %sub3A_151 = vector.broadcast %slice3A_147 : vector<336x1xf32> to vector<336x256xf32>
    %sub3A_152 = vector.broadcast %get3A_150 : vector<1x256xf32> to vector<336x256xf32>
    %sub3A_153 = arith.subf %sub3A_151, %sub3A_152 : vector<336x256xf32>
    %abs3A_154 = math.absf %sub3A_153 : vector<336x256xf32>
    %add3A_155 = arith.addf %add3A_146, %abs3A_154 : vector<336x256xf32>
    %slice3A_156 = vector.extract_strided_slice %add3A {offsets = [0, 17], sizes = [336, 1], strides = [1, 1]} : vector<336x64xf32> to vector<336x1xf32>
    %get3A_157 = arith.constant 17 : index
    %get3A_158 = arith.constant 0 : index
    %get3A_159 = vector.load %arg3[%get3A_157, %get3A_158] : memref<64x256xf32, #tpu.memory_space<vmem>>, vector<1x256xf32>
    %sub3A_160 = vector.broadcast %slice3A_156 : vector<336x1xf32> to vector<336x256xf32>
    %sub3A_161 = vector.broadcast %get3A_159 : vector<1x256xf32> to vector<336x256xf32>
    %sub3A_162 = arith.subf %sub3A_160, %sub3A_161 : vector<336x256xf32>
    %abs3A_163 = math.absf %sub3A_162 : vector<336x256xf32>
    %add3A_164 = arith.addf %add3A_155, %abs3A_163 : vector<336x256xf32>
    %slice3A_165 = vector.extract_strided_slice %add3A {offsets = [0, 18], sizes = [336, 1], strides = [1, 1]} : vector<336x64xf32> to vector<336x1xf32>
    %get3A_166 = arith.constant 18 : index
    %get3A_167 = arith.constant 0 : index
    %get3A_168 = vector.load %arg3[%get3A_166, %get3A_167] : memref<64x256xf32, #tpu.memory_space<vmem>>, vector<1x256xf32>
    %sub3A_169 = vector.broadcast %slice3A_165 : vector<336x1xf32> to vector<336x256xf32>
    %sub3A_170 = vector.broadcast %get3A_168 : vector<1x256xf32> to vector<336x256xf32>
    %sub3A_171 = arith.subf %sub3A_169, %sub3A_170 : vector<336x256xf32>
    %abs3A_172 = math.absf %sub3A_171 : vector<336x256xf32>
    %add3A_173 = arith.addf %add3A_164, %abs3A_172 : vector<336x256xf32>
    %slice3A_174 = vector.extract_strided_slice %add3A {offsets = [0, 19], sizes = [336, 1], strides = [1, 1]} : vector<336x64xf32> to vector<336x1xf32>
    %get3A_175 = arith.constant 19 : index
    %get3A_176 = arith.constant 0 : index
    %get3A_177 = vector.load %arg3[%get3A_175, %get3A_176] : memref<64x256xf32, #tpu.memory_space<vmem>>, vector<1x256xf32>
    %sub3A_178 = vector.broadcast %slice3A_174 : vector<336x1xf32> to vector<336x256xf32>
    %sub3A_179 = vector.broadcast %get3A_177 : vector<1x256xf32> to vector<336x256xf32>
    %sub3A_180 = arith.subf %sub3A_178, %sub3A_179 : vector<336x256xf32>
    %abs3A_181 = math.absf %sub3A_180 : vector<336x256xf32>
    %add3A_182 = arith.addf %add3A_173, %abs3A_181 : vector<336x256xf32>
    %slice3A_183 = vector.extract_strided_slice %add3A {offsets = [0, 20], sizes = [336, 1], strides = [1, 1]} : vector<336x64xf32> to vector<336x1xf32>
    %get3A_184 = arith.constant 20 : index
    %get3A_185 = arith.constant 0 : index
    %get3A_186 = vector.load %arg3[%get3A_184, %get3A_185] : memref<64x256xf32, #tpu.memory_space<vmem>>, vector<1x256xf32>
    %sub3A_187 = vector.broadcast %slice3A_183 : vector<336x1xf32> to vector<336x256xf32>
    %sub3A_188 = vector.broadcast %get3A_186 : vector<1x256xf32> to vector<336x256xf32>
    %sub3A_189 = arith.subf %sub3A_187, %sub3A_188 : vector<336x256xf32>
    %abs3A_190 = math.absf %sub3A_189 : vector<336x256xf32>
    %add3A_191 = arith.addf %add3A_182, %abs3A_190 : vector<336x256xf32>
    %slice3A_192 = vector.extract_strided_slice %add3A {offsets = [0, 21], sizes = [336, 1], strides = [1, 1]} : vector<336x64xf32> to vector<336x1xf32>
    %get3A_193 = arith.constant 21 : index
    %get3A_194 = arith.constant 0 : index
    %get3A_195 = vector.load %arg3[%get3A_193, %get3A_194] : memref<64x256xf32, #tpu.memory_space<vmem>>, vector<1x256xf32>
    %sub3A_196 = vector.broadcast %slice3A_192 : vector<336x1xf32> to vector<336x256xf32>
    %sub3A_197 = vector.broadcast %get3A_195 : vector<1x256xf32> to vector<336x256xf32>
    %sub3A_198 = arith.subf %sub3A_196, %sub3A_197 : vector<336x256xf32>
    %abs3A_199 = math.absf %sub3A_198 : vector<336x256xf32>
    %add3A_200 = arith.addf %add3A_191, %abs3A_199 : vector<336x256xf32>
    %slice3A_201 = vector.extract_strided_slice %add3A {offsets = [0, 22], sizes = [336, 1], strides = [1, 1]} : vector<336x64xf32> to vector<336x1xf32>
    %get3A_202 = arith.constant 22 : index
    %get3A_203 = arith.constant 0 : index
    %get3A_204 = vector.load %arg3[%get3A_202, %get3A_203] : memref<64x256xf32, #tpu.memory_space<vmem>>, vector<1x256xf32>
    %sub3A_205 = vector.broadcast %slice3A_201 : vector<336x1xf32> to vector<336x256xf32>
    %sub3A_206 = vector.broadcast %get3A_204 : vector<1x256xf32> to vector<336x256xf32>
    %sub3A_207 = arith.subf %sub3A_205, %sub3A_206 : vector<336x256xf32>
    %abs3A_208 = math.absf %sub3A_207 : vector<336x256xf32>
    %add3A_209 = arith.addf %add3A_200, %abs3A_208 : vector<336x256xf32>
    %slice3A_210 = vector.extract_strided_slice %add3A {offsets = [0, 23], sizes = [336, 1], strides = [1, 1]} : vector<336x64xf32> to vector<336x1xf32>
    %get3A_211 = arith.constant 23 : index
    %get3A_212 = arith.constant 0 : index
    %get3A_213 = vector.load %arg3[%get3A_211, %get3A_212] : memref<64x256xf32, #tpu.memory_space<vmem>>, vector<1x256xf32>
    %sub3A_214 = vector.broadcast %slice3A_210 : vector<336x1xf32> to vector<336x256xf32>
    %sub3A_215 = vector.broadcast %get3A_213 : vector<1x256xf32> to vector<336x256xf32>
    %sub3A_216 = arith.subf %sub3A_214, %sub3A_215 : vector<336x256xf32>
    %abs3A_217 = math.absf %sub3A_216 : vector<336x256xf32>
    %add3A_218 = arith.addf %add3A_209, %abs3A_217 : vector<336x256xf32>
    %slice3A_219 = vector.extract_strided_slice %add3A {offsets = [0, 24], sizes = [336, 1], strides = [1, 1]} : vector<336x64xf32> to vector<336x1xf32>
    %get3A_220 = arith.constant 24 : index
    %get3A_221 = arith.constant 0 : index
    %get3A_222 = vector.load %arg3[%get3A_220, %get3A_221] : memref<64x256xf32, #tpu.memory_space<vmem>>, vector<1x256xf32>
    %sub3A_223 = vector.broadcast %slice3A_219 : vector<336x1xf32> to vector<336x256xf32>
    %sub3A_224 = vector.broadcast %get3A_222 : vector<1x256xf32> to vector<336x256xf32>
    %sub3A_225 = arith.subf %sub3A_223, %sub3A_224 : vector<336x256xf32>
    %abs3A_226 = math.absf %sub3A_225 : vector<336x256xf32>
    %add3A_227 = arith.addf %add3A_218, %abs3A_226 : vector<336x256xf32>
    %slice3A_228 = vector.extract_strided_slice %add3A {offsets = [0, 25], sizes = [336, 1], strides = [1, 1]} : vector<336x64xf32> to vector<336x1xf32>
    %get3A_229 = arith.constant 25 : index
    %get3A_230 = arith.constant 0 : index
    %get3A_231 = vector.load %arg3[%get3A_229, %get3A_230] : memref<64x256xf32, #tpu.memory_space<vmem>>, vector<1x256xf32>
    %sub3A_232 = vector.broadcast %slice3A_228 : vector<336x1xf32> to vector<336x256xf32>
    %sub3A_233 = vector.broadcast %get3A_231 : vector<1x256xf32> to vector<336x256xf32>
    %sub3A_234 = arith.subf %sub3A_232, %sub3A_233 : vector<336x256xf32>
    %abs3A_235 = math.absf %sub3A_234 : vector<336x256xf32>
    %add3A_236 = arith.addf %add3A_227, %abs3A_235 : vector<336x256xf32>
    %slice3A_237 = vector.extract_strided_slice %add3A {offsets = [0, 26], sizes = [336, 1], strides = [1, 1]} : vector<336x64xf32> to vector<336x1xf32>
    %get3A_238 = arith.constant 26 : index
    %get3A_239 = arith.constant 0 : index
    %get3A_240 = vector.load %arg3[%get3A_238, %get3A_239] : memref<64x256xf32, #tpu.memory_space<vmem>>, vector<1x256xf32>
    %sub3A_241 = vector.broadcast %slice3A_237 : vector<336x1xf32> to vector<336x256xf32>
    %sub3A_242 = vector.broadcast %get3A_240 : vector<1x256xf32> to vector<336x256xf32>
    %sub3A_243 = arith.subf %sub3A_241, %sub3A_242 : vector<336x256xf32>
    %abs3A_244 = math.absf %sub3A_243 : vector<336x256xf32>
    %add3A_245 = arith.addf %add3A_236, %abs3A_244 : vector<336x256xf32>
    %slice3A_246 = vector.extract_strided_slice %add3A {offsets = [0, 27], sizes = [336, 1], strides = [1, 1]} : vector<336x64xf32> to vector<336x1xf32>
    %get3A_247 = arith.constant 27 : index
    %get3A_248 = arith.constant 0 : index
    %get3A_249 = vector.load %arg3[%get3A_247, %get3A_248] : memref<64x256xf32, #tpu.memory_space<vmem>>, vector<1x256xf32>
    %sub3A_250 = vector.broadcast %slice3A_246 : vector<336x1xf32> to vector<336x256xf32>
    %sub3A_251 = vector.broadcast %get3A_249 : vector<1x256xf32> to vector<336x256xf32>
    %sub3A_252 = arith.subf %sub3A_250, %sub3A_251 : vector<336x256xf32>
    %abs3A_253 = math.absf %sub3A_252 : vector<336x256xf32>
    %add3A_254 = arith.addf %add3A_245, %abs3A_253 : vector<336x256xf32>
    %slice3A_255 = vector.extract_strided_slice %add3A {offsets = [0, 28], sizes = [336, 1], strides = [1, 1]} : vector<336x64xf32> to vector<336x1xf32>
    %get3A_256 = arith.constant 28 : index
    %get3A_257 = arith.constant 0 : index
    %get3A_258 = vector.load %arg3[%get3A_256, %get3A_257] : memref<64x256xf32, #tpu.memory_space<vmem>>, vector<1x256xf32>
    %sub3A_259 = vector.broadcast %slice3A_255 : vector<336x1xf32> to vector<336x256xf32>
    %sub3A_260 = vector.broadcast %get3A_258 : vector<1x256xf32> to vector<336x256xf32>
    %sub3A_261 = arith.subf %sub3A_259, %sub3A_260 : vector<336x256xf32>
    %abs3A_262 = math.absf %sub3A_261 : vector<336x256xf32>
    %add3A_263 = arith.addf %add3A_254, %abs3A_262 : vector<336x256xf32>
    %slice3A_264 = vector.extract_strided_slice %add3A {offsets = [0, 29], sizes = [336, 1], strides = [1, 1]} : vector<336x64xf32> to vector<336x1xf32>
    %get3A_265 = arith.constant 29 : index
    %get3A_266 = arith.constant 0 : index
    %get3A_267 = vector.load %arg3[%get3A_265, %get3A_266] : memref<64x256xf32, #tpu.memory_space<vmem>>, vector<1x256xf32>
    %sub3A_268 = vector.broadcast %slice3A_264 : vector<336x1xf32> to vector<336x256xf32>
    %sub3A_269 = vector.broadcast %get3A_267 : vector<1x256xf32> to vector<336x256xf32>
    %sub3A_270 = arith.subf %sub3A_268, %sub3A_269 : vector<336x256xf32>
    %abs3A_271 = math.absf %sub3A_270 : vector<336x256xf32>
    %add3A_272 = arith.addf %add3A_263, %abs3A_271 : vector<336x256xf32>
    %slice3A_273 = vector.extract_strided_slice %add3A {offsets = [0, 30], sizes = [336, 1], strides = [1, 1]} : vector<336x64xf32> to vector<336x1xf32>
    %get3A_274 = arith.constant 30 : index
    %get3A_275 = arith.constant 0 : index
    %get3A_276 = vector.load %arg3[%get3A_274, %get3A_275] : memref<64x256xf32, #tpu.memory_space<vmem>>, vector<1x256xf32>
    %sub3A_277 = vector.broadcast %slice3A_273 : vector<336x1xf32> to vector<336x256xf32>
    %sub3A_278 = vector.broadcast %get3A_276 : vector<1x256xf32> to vector<336x256xf32>
    %sub3A_279 = arith.subf %sub3A_277, %sub3A_278 : vector<336x256xf32>
    %abs3A_280 = math.absf %sub3A_279 : vector<336x256xf32>
    %add3A_281 = arith.addf %add3A_272, %abs3A_280 : vector<336x256xf32>
    %slice3A_282 = vector.extract_strided_slice %add3A {offsets = [0, 31], sizes = [336, 1], strides = [1, 1]} : vector<336x64xf32> to vector<336x1xf32>
    %get3A_283 = arith.constant 31 : index
    %get3A_284 = arith.constant 0 : index
    %get3A_285 = vector.load %arg3[%get3A_283, %get3A_284] : memref<64x256xf32, #tpu.memory_space<vmem>>, vector<1x256xf32>
    %sub3A_286 = vector.broadcast %slice3A_282 : vector<336x1xf32> to vector<336x256xf32>
    %sub3A_287 = vector.broadcast %get3A_285 : vector<1x256xf32> to vector<336x256xf32>
    %sub3A_288 = arith.subf %sub3A_286, %sub3A_287 : vector<336x256xf32>
    %abs3A_289 = math.absf %sub3A_288 : vector<336x256xf32>
    %add3A_290 = arith.addf %add3A_281, %abs3A_289 : vector<336x256xf32>
    %slice3A_291 = vector.extract_strided_slice %add3A {offsets = [0, 32], sizes = [336, 1], strides = [1, 1]} : vector<336x64xf32> to vector<336x1xf32>
    %get3A_292 = arith.constant 32 : index
    %get3A_293 = arith.constant 0 : index
    %get3A_294 = vector.load %arg3[%get3A_292, %get3A_293] : memref<64x256xf32, #tpu.memory_space<vmem>>, vector<1x256xf32>
    %sub3A_295 = vector.broadcast %slice3A_291 : vector<336x1xf32> to vector<336x256xf32>
    %sub3A_296 = vector.broadcast %get3A_294 : vector<1x256xf32> to vector<336x256xf32>
    %sub3A_297 = arith.subf %sub3A_295, %sub3A_296 : vector<336x256xf32>
    %abs3A_298 = math.absf %sub3A_297 : vector<336x256xf32>
    %add3A_299 = arith.addf %add3A_290, %abs3A_298 : vector<336x256xf32>
    %slice3A_300 = vector.extract_strided_slice %add3A {offsets = [0, 33], sizes = [336, 1], strides = [1, 1]} : vector<336x64xf32> to vector<336x1xf32>
    %get3A_301 = arith.constant 33 : index
    %get3A_302 = arith.constant 0 : index
    %get3A_303 = vector.load %arg3[%get3A_301, %get3A_302] : memref<64x256xf32, #tpu.memory_space<vmem>>, vector<1x256xf32>
    %sub3A_304 = vector.broadcast %slice3A_300 : vector<336x1xf32> to vector<336x256xf32>
    %sub3A_305 = vector.broadcast %get3A_303 : vector<1x256xf32> to vector<336x256xf32>
    %sub3A_306 = arith.subf %sub3A_304, %sub3A_305 : vector<336x256xf32>
    %abs3A_307 = math.absf %sub3A_306 : vector<336x256xf32>
    %add3A_308 = arith.addf %add3A_299, %abs3A_307 : vector<336x256xf32>
    %slice3A_309 = vector.extract_strided_slice %add3A {offsets = [0, 34], sizes = [336, 1], strides = [1, 1]} : vector<336x64xf32> to vector<336x1xf32>
    %get3A_310 = arith.constant 34 : index
    %get3A_311 = arith.constant 0 : index
    %get3A_312 = vector.load %arg3[%get3A_310, %get3A_311] : memref<64x256xf32, #tpu.memory_space<vmem>>, vector<1x256xf32>
    %sub3A_313 = vector.broadcast %slice3A_309 : vector<336x1xf32> to vector<336x256xf32>
    %sub3A_314 = vector.broadcast %get3A_312 : vector<1x256xf32> to vector<336x256xf32>
    %sub3A_315 = arith.subf %sub3A_313, %sub3A_314 : vector<336x256xf32>
    %abs3A_316 = math.absf %sub3A_315 : vector<336x256xf32>
    %add3A_317 = arith.addf %add3A_308, %abs3A_316 : vector<336x256xf32>
    %slice3A_318 = vector.extract_strided_slice %add3A {offsets = [0, 35], sizes = [336, 1], strides = [1, 1]} : vector<336x64xf32> to vector<336x1xf32>
    %get3A_319 = arith.constant 35 : index
    %get3A_320 = arith.constant 0 : index
    %get3A_321 = vector.load %arg3[%get3A_319, %get3A_320] : memref<64x256xf32, #tpu.memory_space<vmem>>, vector<1x256xf32>
    %sub3A_322 = vector.broadcast %slice3A_318 : vector<336x1xf32> to vector<336x256xf32>
    %sub3A_323 = vector.broadcast %get3A_321 : vector<1x256xf32> to vector<336x256xf32>
    %sub3A_324 = arith.subf %sub3A_322, %sub3A_323 : vector<336x256xf32>
    %abs3A_325 = math.absf %sub3A_324 : vector<336x256xf32>
    %add3A_326 = arith.addf %add3A_317, %abs3A_325 : vector<336x256xf32>
    %slice3A_327 = vector.extract_strided_slice %add3A {offsets = [0, 36], sizes = [336, 1], strides = [1, 1]} : vector<336x64xf32> to vector<336x1xf32>
    %get3A_328 = arith.constant 36 : index
    %get3A_329 = arith.constant 0 : index
    %get3A_330 = vector.load %arg3[%get3A_328, %get3A_329] : memref<64x256xf32, #tpu.memory_space<vmem>>, vector<1x256xf32>
    %sub3A_331 = vector.broadcast %slice3A_327 : vector<336x1xf32> to vector<336x256xf32>
    %sub3A_332 = vector.broadcast %get3A_330 : vector<1x256xf32> to vector<336x256xf32>
    %sub3A_333 = arith.subf %sub3A_331, %sub3A_332 : vector<336x256xf32>
    %abs3A_334 = math.absf %sub3A_333 : vector<336x256xf32>
    %add3A_335 = arith.addf %add3A_326, %abs3A_334 : vector<336x256xf32>
    %slice3A_336 = vector.extract_strided_slice %add3A {offsets = [0, 37], sizes = [336, 1], strides = [1, 1]} : vector<336x64xf32> to vector<336x1xf32>
    %get3A_337 = arith.constant 37 : index
    %get3A_338 = arith.constant 0 : index
    %get3A_339 = vector.load %arg3[%get3A_337, %get3A_338] : memref<64x256xf32, #tpu.memory_space<vmem>>, vector<1x256xf32>
    %sub3A_340 = vector.broadcast %slice3A_336 : vector<336x1xf32> to vector<336x256xf32>
    %sub3A_341 = vector.broadcast %get3A_339 : vector<1x256xf32> to vector<336x256xf32>
    %sub3A_342 = arith.subf %sub3A_340, %sub3A_341 : vector<336x256xf32>
    %abs3A_343 = math.absf %sub3A_342 : vector<336x256xf32>
    %add3A_344 = arith.addf %add3A_335, %abs3A_343 : vector<336x256xf32>
    %slice3A_345 = vector.extract_strided_slice %add3A {offsets = [0, 38], sizes = [336, 1], strides = [1, 1]} : vector<336x64xf32> to vector<336x1xf32>
    %get3A_346 = arith.constant 38 : index
    %get3A_347 = arith.constant 0 : index
    %get3A_348 = vector.load %arg3[%get3A_346, %get3A_347] : memref<64x256xf32, #tpu.memory_space<vmem>>, vector<1x256xf32>
    %sub3A_349 = vector.broadcast %slice3A_345 : vector<336x1xf32> to vector<336x256xf32>
    %sub3A_350 = vector.broadcast %get3A_348 : vector<1x256xf32> to vector<336x256xf32>
    %sub3A_351 = arith.subf %sub3A_349, %sub3A_350 : vector<336x256xf32>
    %abs3A_352 = math.absf %sub3A_351 : vector<336x256xf32>
    %add3A_353 = arith.addf %add3A_344, %abs3A_352 : vector<336x256xf32>
    %slice3A_354 = vector.extract_strided_slice %add3A {offsets = [0, 39], sizes = [336, 1], strides = [1, 1]} : vector<336x64xf32> to vector<336x1xf32>
    %get3A_355 = arith.constant 39 : index
    %get3A_356 = arith.constant 0 : index
    %get3A_357 = vector.load %arg3[%get3A_355, %get3A_356] : memref<64x256xf32, #tpu.memory_space<vmem>>, vector<1x256xf32>
    %sub3A_358 = vector.broadcast %slice3A_354 : vector<336x1xf32> to vector<336x256xf32>
    %sub3A_359 = vector.broadcast %get3A_357 : vector<1x256xf32> to vector<336x256xf32>
    %sub3A_360 = arith.subf %sub3A_358, %sub3A_359 : vector<336x256xf32>
    %abs3A_361 = math.absf %sub3A_360 : vector<336x256xf32>
    %add3A_362 = arith.addf %add3A_353, %abs3A_361 : vector<336x256xf32>
    %slice3A_363 = vector.extract_strided_slice %add3A {offsets = [0, 40], sizes = [336, 1], strides = [1, 1]} : vector<336x64xf32> to vector<336x1xf32>
    %get3A_364 = arith.constant 40 : index
    %get3A_365 = arith.constant 0 : index
    %get3A_366 = vector.load %arg3[%get3A_364, %get3A_365] : memref<64x256xf32, #tpu.memory_space<vmem>>, vector<1x256xf32>
    %sub3A_367 = vector.broadcast %slice3A_363 : vector<336x1xf32> to vector<336x256xf32>
    %sub3A_368 = vector.broadcast %get3A_366 : vector<1x256xf32> to vector<336x256xf32>
    %sub3A_369 = arith.subf %sub3A_367, %sub3A_368 : vector<336x256xf32>
    %abs3A_370 = math.absf %sub3A_369 : vector<336x256xf32>
    %add3A_371 = arith.addf %add3A_362, %abs3A_370 : vector<336x256xf32>
    %slice3A_372 = vector.extract_strided_slice %add3A {offsets = [0, 41], sizes = [336, 1], strides = [1, 1]} : vector<336x64xf32> to vector<336x1xf32>
    %get3A_373 = arith.constant 41 : index
    %get3A_374 = arith.constant 0 : index
    %get3A_375 = vector.load %arg3[%get3A_373, %get3A_374] : memref<64x256xf32, #tpu.memory_space<vmem>>, vector<1x256xf32>
    %sub3A_376 = vector.broadcast %slice3A_372 : vector<336x1xf32> to vector<336x256xf32>
    %sub3A_377 = vector.broadcast %get3A_375 : vector<1x256xf32> to vector<336x256xf32>
    %sub3A_378 = arith.subf %sub3A_376, %sub3A_377 : vector<336x256xf32>
    %abs3A_379 = math.absf %sub3A_378 : vector<336x256xf32>
    %add3A_380 = arith.addf %add3A_371, %abs3A_379 : vector<336x256xf32>
    %slice3A_381 = vector.extract_strided_slice %add3A {offsets = [0, 42], sizes = [336, 1], strides = [1, 1]} : vector<336x64xf32> to vector<336x1xf32>
    %get3A_382 = arith.constant 42 : index
    %get3A_383 = arith.constant 0 : index
    %get3A_384 = vector.load %arg3[%get3A_382, %get3A_383] : memref<64x256xf32, #tpu.memory_space<vmem>>, vector<1x256xf32>
    %sub3A_385 = vector.broadcast %slice3A_381 : vector<336x1xf32> to vector<336x256xf32>
    %sub3A_386 = vector.broadcast %get3A_384 : vector<1x256xf32> to vector<336x256xf32>
    %sub3A_387 = arith.subf %sub3A_385, %sub3A_386 : vector<336x256xf32>
    %abs3A_388 = math.absf %sub3A_387 : vector<336x256xf32>
    %add3A_389 = arith.addf %add3A_380, %abs3A_388 : vector<336x256xf32>
    %slice3A_390 = vector.extract_strided_slice %add3A {offsets = [0, 43], sizes = [336, 1], strides = [1, 1]} : vector<336x64xf32> to vector<336x1xf32>
    %get3A_391 = arith.constant 43 : index
    %get3A_392 = arith.constant 0 : index
    %get3A_393 = vector.load %arg3[%get3A_391, %get3A_392] : memref<64x256xf32, #tpu.memory_space<vmem>>, vector<1x256xf32>
    %sub3A_394 = vector.broadcast %slice3A_390 : vector<336x1xf32> to vector<336x256xf32>
    %sub3A_395 = vector.broadcast %get3A_393 : vector<1x256xf32> to vector<336x256xf32>
    %sub3A_396 = arith.subf %sub3A_394, %sub3A_395 : vector<336x256xf32>
    %abs3A_397 = math.absf %sub3A_396 : vector<336x256xf32>
    %add3A_398 = arith.addf %add3A_389, %abs3A_397 : vector<336x256xf32>
    %slice3A_399 = vector.extract_strided_slice %add3A {offsets = [0, 44], sizes = [336, 1], strides = [1, 1]} : vector<336x64xf32> to vector<336x1xf32>
    %get3A_400 = arith.constant 44 : index
    %get3A_401 = arith.constant 0 : index
    %get3A_402 = vector.load %arg3[%get3A_400, %get3A_401] : memref<64x256xf32, #tpu.memory_space<vmem>>, vector<1x256xf32>
    %sub3A_403 = vector.broadcast %slice3A_399 : vector<336x1xf32> to vector<336x256xf32>
    %sub3A_404 = vector.broadcast %get3A_402 : vector<1x256xf32> to vector<336x256xf32>
    %sub3A_405 = arith.subf %sub3A_403, %sub3A_404 : vector<336x256xf32>
    %abs3A_406 = math.absf %sub3A_405 : vector<336x256xf32>
    %add3A_407 = arith.addf %add3A_398, %abs3A_406 : vector<336x256xf32>
    %slice3A_408 = vector.extract_strided_slice %add3A {offsets = [0, 45], sizes = [336, 1], strides = [1, 1]} : vector<336x64xf32> to vector<336x1xf32>
    %get3A_409 = arith.constant 45 : index
    %get3A_410 = arith.constant 0 : index
    %get3A_411 = vector.load %arg3[%get3A_409, %get3A_410] : memref<64x256xf32, #tpu.memory_space<vmem>>, vector<1x256xf32>
    %sub3A_412 = vector.broadcast %slice3A_408 : vector<336x1xf32> to vector<336x256xf32>
    %sub3A_413 = vector.broadcast %get3A_411 : vector<1x256xf32> to vector<336x256xf32>
    %sub3A_414 = arith.subf %sub3A_412, %sub3A_413 : vector<336x256xf32>
    %abs3A_415 = math.absf %sub3A_414 : vector<336x256xf32>
    %add3A_416 = arith.addf %add3A_407, %abs3A_415 : vector<336x256xf32>
    %slice3A_417 = vector.extract_strided_slice %add3A {offsets = [0, 46], sizes = [336, 1], strides = [1, 1]} : vector<336x64xf32> to vector<336x1xf32>
    %get3A_418 = arith.constant 46 : index
    %get3A_419 = arith.constant 0 : index
    %get3A_420 = vector.load %arg3[%get3A_418, %get3A_419] : memref<64x256xf32, #tpu.memory_space<vmem>>, vector<1x256xf32>
    %sub3A_421 = vector.broadcast %slice3A_417 : vector<336x1xf32> to vector<336x256xf32>
    %sub3A_422 = vector.broadcast %get3A_420 : vector<1x256xf32> to vector<336x256xf32>
    %sub3A_423 = arith.subf %sub3A_421, %sub3A_422 : vector<336x256xf32>
    %abs3A_424 = math.absf %sub3A_423 : vector<336x256xf32>
    %add3A_425 = arith.addf %add3A_416, %abs3A_424 : vector<336x256xf32>
    %slice3A_426 = vector.extract_strided_slice %add3A {offsets = [0, 47], sizes = [336, 1], strides = [1, 1]} : vector<336x64xf32> to vector<336x1xf32>
    %get3A_427 = arith.constant 47 : index
    %get3A_428 = arith.constant 0 : index
    %get3A_429 = vector.load %arg3[%get3A_427, %get3A_428] : memref<64x256xf32, #tpu.memory_space<vmem>>, vector<1x256xf32>
    %sub3A_430 = vector.broadcast %slice3A_426 : vector<336x1xf32> to vector<336x256xf32>
    %sub3A_431 = vector.broadcast %get3A_429 : vector<1x256xf32> to vector<336x256xf32>
    %sub3A_432 = arith.subf %sub3A_430, %sub3A_431 : vector<336x256xf32>
    %abs3A_433 = math.absf %sub3A_432 : vector<336x256xf32>
    %add3A_434 = arith.addf %add3A_425, %abs3A_433 : vector<336x256xf32>
    %slice3A_435 = vector.extract_strided_slice %add3A {offsets = [0, 48], sizes = [336, 1], strides = [1, 1]} : vector<336x64xf32> to vector<336x1xf32>
    %get3A_436 = arith.constant 48 : index
    %get3A_437 = arith.constant 0 : index
    %get3A_438 = vector.load %arg3[%get3A_436, %get3A_437] : memref<64x256xf32, #tpu.memory_space<vmem>>, vector<1x256xf32>
    %sub3A_439 = vector.broadcast %slice3A_435 : vector<336x1xf32> to vector<336x256xf32>
    %sub3A_440 = vector.broadcast %get3A_438 : vector<1x256xf32> to vector<336x256xf32>
    %sub3A_441 = arith.subf %sub3A_439, %sub3A_440 : vector<336x256xf32>
    %abs3A_442 = math.absf %sub3A_441 : vector<336x256xf32>
    %add3A_443 = arith.addf %add3A_434, %abs3A_442 : vector<336x256xf32>
    %slice3A_444 = vector.extract_strided_slice %add3A {offsets = [0, 49], sizes = [336, 1], strides = [1, 1]} : vector<336x64xf32> to vector<336x1xf32>
    %get3A_445 = arith.constant 49 : index
    %get3A_446 = arith.constant 0 : index
    %get3A_447 = vector.load %arg3[%get3A_445, %get3A_446] : memref<64x256xf32, #tpu.memory_space<vmem>>, vector<1x256xf32>
    %sub3A_448 = vector.broadcast %slice3A_444 : vector<336x1xf32> to vector<336x256xf32>
    %sub3A_449 = vector.broadcast %get3A_447 : vector<1x256xf32> to vector<336x256xf32>
    %sub3A_450 = arith.subf %sub3A_448, %sub3A_449 : vector<336x256xf32>
    %abs3A_451 = math.absf %sub3A_450 : vector<336x256xf32>
    %add3A_452 = arith.addf %add3A_443, %abs3A_451 : vector<336x256xf32>
    %slice3A_453 = vector.extract_strided_slice %add3A {offsets = [0, 50], sizes = [336, 1], strides = [1, 1]} : vector<336x64xf32> to vector<336x1xf32>
    %get3A_454 = arith.constant 50 : index
    %get3A_455 = arith.constant 0 : index
    %get3A_456 = vector.load %arg3[%get3A_454, %get3A_455] : memref<64x256xf32, #tpu.memory_space<vmem>>, vector<1x256xf32>
    %sub3A_457 = vector.broadcast %slice3A_453 : vector<336x1xf32> to vector<336x256xf32>
    %sub3A_458 = vector.broadcast %get3A_456 : vector<1x256xf32> to vector<336x256xf32>
    %sub3A_459 = arith.subf %sub3A_457, %sub3A_458 : vector<336x256xf32>
    %abs3A_460 = math.absf %sub3A_459 : vector<336x256xf32>
    %add3A_461 = arith.addf %add3A_452, %abs3A_460 : vector<336x256xf32>
    %slice3A_462 = vector.extract_strided_slice %add3A {offsets = [0, 51], sizes = [336, 1], strides = [1, 1]} : vector<336x64xf32> to vector<336x1xf32>
    %get3A_463 = arith.constant 51 : index
    %get3A_464 = arith.constant 0 : index
    %get3A_465 = vector.load %arg3[%get3A_463, %get3A_464] : memref<64x256xf32, #tpu.memory_space<vmem>>, vector<1x256xf32>
    %sub3A_466 = vector.broadcast %slice3A_462 : vector<336x1xf32> to vector<336x256xf32>
    %sub3A_467 = vector.broadcast %get3A_465 : vector<1x256xf32> to vector<336x256xf32>
    %sub3A_468 = arith.subf %sub3A_466, %sub3A_467 : vector<336x256xf32>
    %abs3A_469 = math.absf %sub3A_468 : vector<336x256xf32>
    %add3A_470 = arith.addf %add3A_461, %abs3A_469 : vector<336x256xf32>
    %slice3A_471 = vector.extract_strided_slice %add3A {offsets = [0, 52], sizes = [336, 1], strides = [1, 1]} : vector<336x64xf32> to vector<336x1xf32>
    %get3A_472 = arith.constant 52 : index
    %get3A_473 = arith.constant 0 : index
    %get3A_474 = vector.load %arg3[%get3A_472, %get3A_473] : memref<64x256xf32, #tpu.memory_space<vmem>>, vector<1x256xf32>
    %sub3A_475 = vector.broadcast %slice3A_471 : vector<336x1xf32> to vector<336x256xf32>
    %sub3A_476 = vector.broadcast %get3A_474 : vector<1x256xf32> to vector<336x256xf32>
    %sub3A_477 = arith.subf %sub3A_475, %sub3A_476 : vector<336x256xf32>
    %abs3A_478 = math.absf %sub3A_477 : vector<336x256xf32>
    %add3A_479 = arith.addf %add3A_470, %abs3A_478 : vector<336x256xf32>
    %slice3A_480 = vector.extract_strided_slice %add3A {offsets = [0, 53], sizes = [336, 1], strides = [1, 1]} : vector<336x64xf32> to vector<336x1xf32>
    %get3A_481 = arith.constant 53 : index
    %get3A_482 = arith.constant 0 : index
    %get3A_483 = vector.load %arg3[%get3A_481, %get3A_482] : memref<64x256xf32, #tpu.memory_space<vmem>>, vector<1x256xf32>
    %sub3A_484 = vector.broadcast %slice3A_480 : vector<336x1xf32> to vector<336x256xf32>
    %sub3A_485 = vector.broadcast %get3A_483 : vector<1x256xf32> to vector<336x256xf32>
    %sub3A_486 = arith.subf %sub3A_484, %sub3A_485 : vector<336x256xf32>
    %abs3A_487 = math.absf %sub3A_486 : vector<336x256xf32>
    %add3A_488 = arith.addf %add3A_479, %abs3A_487 : vector<336x256xf32>
    %slice3A_489 = vector.extract_strided_slice %add3A {offsets = [0, 54], sizes = [336, 1], strides = [1, 1]} : vector<336x64xf32> to vector<336x1xf32>
    %get3A_490 = arith.constant 54 : index
    %get3A_491 = arith.constant 0 : index
    %get3A_492 = vector.load %arg3[%get3A_490, %get3A_491] : memref<64x256xf32, #tpu.memory_space<vmem>>, vector<1x256xf32>
    %sub3A_493 = vector.broadcast %slice3A_489 : vector<336x1xf32> to vector<336x256xf32>
    %sub3A_494 = vector.broadcast %get3A_492 : vector<1x256xf32> to vector<336x256xf32>
    %sub3A_495 = arith.subf %sub3A_493, %sub3A_494 : vector<336x256xf32>
    %abs3A_496 = math.absf %sub3A_495 : vector<336x256xf32>
    %add3A_497 = arith.addf %add3A_488, %abs3A_496 : vector<336x256xf32>
    %slice3A_498 = vector.extract_strided_slice %add3A {offsets = [0, 55], sizes = [336, 1], strides = [1, 1]} : vector<336x64xf32> to vector<336x1xf32>
    %get3A_499 = arith.constant 55 : index
    %get3A_500 = arith.constant 0 : index
    %get3A_501 = vector.load %arg3[%get3A_499, %get3A_500] : memref<64x256xf32, #tpu.memory_space<vmem>>, vector<1x256xf32>
    %sub3A_502 = vector.broadcast %slice3A_498 : vector<336x1xf32> to vector<336x256xf32>
    %sub3A_503 = vector.broadcast %get3A_501 : vector<1x256xf32> to vector<336x256xf32>
    %sub3A_504 = arith.subf %sub3A_502, %sub3A_503 : vector<336x256xf32>
    %abs3A_505 = math.absf %sub3A_504 : vector<336x256xf32>
    %add3A_506 = arith.addf %add3A_497, %abs3A_505 : vector<336x256xf32>
    %slice3A_507 = vector.extract_strided_slice %add3A {offsets = [0, 56], sizes = [336, 1], strides = [1, 1]} : vector<336x64xf32> to vector<336x1xf32>
    %get3A_508 = arith.constant 56 : index
    %get3A_509 = arith.constant 0 : index
    %get3A_510 = vector.load %arg3[%get3A_508, %get3A_509] : memref<64x256xf32, #tpu.memory_space<vmem>>, vector<1x256xf32>
    %sub3A_511 = vector.broadcast %slice3A_507 : vector<336x1xf32> to vector<336x256xf32>
    %sub3A_512 = vector.broadcast %get3A_510 : vector<1x256xf32> to vector<336x256xf32>
    %sub3A_513 = arith.subf %sub3A_511, %sub3A_512 : vector<336x256xf32>
    %abs3A_514 = math.absf %sub3A_513 : vector<336x256xf32>
    %add3A_515 = arith.addf %add3A_506, %abs3A_514 : vector<336x256xf32>
    %slice3A_516 = vector.extract_strided_slice %add3A {offsets = [0, 57], sizes = [336, 1], strides = [1, 1]} : vector<336x64xf32> to vector<336x1xf32>
    %get3A_517 = arith.constant 57 : index
    %get3A_518 = arith.constant 0 : index
    %get3A_519 = vector.load %arg3[%get3A_517, %get3A_518] : memref<64x256xf32, #tpu.memory_space<vmem>>, vector<1x256xf32>
    %sub3A_520 = vector.broadcast %slice3A_516 : vector<336x1xf32> to vector<336x256xf32>
    %sub3A_521 = vector.broadcast %get3A_519 : vector<1x256xf32> to vector<336x256xf32>
    %sub3A_522 = arith.subf %sub3A_520, %sub3A_521 : vector<336x256xf32>
    %abs3A_523 = math.absf %sub3A_522 : vector<336x256xf32>
    %add3A_524 = arith.addf %add3A_515, %abs3A_523 : vector<336x256xf32>
    %slice3A_525 = vector.extract_strided_slice %add3A {offsets = [0, 58], sizes = [336, 1], strides = [1, 1]} : vector<336x64xf32> to vector<336x1xf32>
    %get3A_526 = arith.constant 58 : index
    %get3A_527 = arith.constant 0 : index
    %get3A_528 = vector.load %arg3[%get3A_526, %get3A_527] : memref<64x256xf32, #tpu.memory_space<vmem>>, vector<1x256xf32>
    %sub3A_529 = vector.broadcast %slice3A_525 : vector<336x1xf32> to vector<336x256xf32>
    %sub3A_530 = vector.broadcast %get3A_528 : vector<1x256xf32> to vector<336x256xf32>
    %sub3A_531 = arith.subf %sub3A_529, %sub3A_530 : vector<336x256xf32>
    %abs3A_532 = math.absf %sub3A_531 : vector<336x256xf32>
    %add3A_533 = arith.addf %add3A_524, %abs3A_532 : vector<336x256xf32>
    %slice3A_534 = vector.extract_strided_slice %add3A {offsets = [0, 59], sizes = [336, 1], strides = [1, 1]} : vector<336x64xf32> to vector<336x1xf32>
    %get3A_535 = arith.constant 59 : index
    %get3A_536 = arith.constant 0 : index
    %get3A_537 = vector.load %arg3[%get3A_535, %get3A_536] : memref<64x256xf32, #tpu.memory_space<vmem>>, vector<1x256xf32>
    %sub3A_538 = vector.broadcast %slice3A_534 : vector<336x1xf32> to vector<336x256xf32>
    %sub3A_539 = vector.broadcast %get3A_537 : vector<1x256xf32> to vector<336x256xf32>
    %sub3A_540 = arith.subf %sub3A_538, %sub3A_539 : vector<336x256xf32>
    %abs3A_541 = math.absf %sub3A_540 : vector<336x256xf32>
    %add3A_542 = arith.addf %add3A_533, %abs3A_541 : vector<336x256xf32>
    %slice3A_543 = vector.extract_strided_slice %add3A {offsets = [0, 60], sizes = [336, 1], strides = [1, 1]} : vector<336x64xf32> to vector<336x1xf32>
    %get3A_544 = arith.constant 60 : index
    %get3A_545 = arith.constant 0 : index
    %get3A_546 = vector.load %arg3[%get3A_544, %get3A_545] : memref<64x256xf32, #tpu.memory_space<vmem>>, vector<1x256xf32>
    %sub3A_547 = vector.broadcast %slice3A_543 : vector<336x1xf32> to vector<336x256xf32>
    %sub3A_548 = vector.broadcast %get3A_546 : vector<1x256xf32> to vector<336x256xf32>
    %sub3A_549 = arith.subf %sub3A_547, %sub3A_548 : vector<336x256xf32>
    %abs3A_550 = math.absf %sub3A_549 : vector<336x256xf32>
    %add3A_551 = arith.addf %add3A_542, %abs3A_550 : vector<336x256xf32>
    %slice3A_552 = vector.extract_strided_slice %add3A {offsets = [0, 61], sizes = [336, 1], strides = [1, 1]} : vector<336x64xf32> to vector<336x1xf32>
    %get3A_553 = arith.constant 61 : index
    %get3A_554 = arith.constant 0 : index
    %get3A_555 = vector.load %arg3[%get3A_553, %get3A_554] : memref<64x256xf32, #tpu.memory_space<vmem>>, vector<1x256xf32>
    %sub3A_556 = vector.broadcast %slice3A_552 : vector<336x1xf32> to vector<336x256xf32>
    %sub3A_557 = vector.broadcast %get3A_555 : vector<1x256xf32> to vector<336x256xf32>
    %sub3A_558 = arith.subf %sub3A_556, %sub3A_557 : vector<336x256xf32>
    %abs3A_559 = math.absf %sub3A_558 : vector<336x256xf32>
    %add3A_560 = arith.addf %add3A_551, %abs3A_559 : vector<336x256xf32>
    %slice3A_561 = vector.extract_strided_slice %add3A {offsets = [0, 62], sizes = [336, 1], strides = [1, 1]} : vector<336x64xf32> to vector<336x1xf32>
    %get3A_562 = arith.constant 62 : index
    %get3A_563 = arith.constant 0 : index
    %get3A_564 = vector.load %arg3[%get3A_562, %get3A_563] : memref<64x256xf32, #tpu.memory_space<vmem>>, vector<1x256xf32>
    %sub3A_565 = vector.broadcast %slice3A_561 : vector<336x1xf32> to vector<336x256xf32>
    %sub3A_566 = vector.broadcast %get3A_564 : vector<1x256xf32> to vector<336x256xf32>
    %sub3A_567 = arith.subf %sub3A_565, %sub3A_566 : vector<336x256xf32>
    %abs3A_568 = math.absf %sub3A_567 : vector<336x256xf32>
    %add3A_569 = arith.addf %add3A_560, %abs3A_568 : vector<336x256xf32>
    %slice3A_570 = vector.extract_strided_slice %add3A {offsets = [0, 63], sizes = [336, 1], strides = [1, 1]} : vector<336x64xf32> to vector<336x1xf32>
    %get3A_571 = arith.constant 63 : index
    %get3A_572 = arith.constant 0 : index
    %get3A_573 = vector.load %arg3[%get3A_571, %get3A_572] : memref<64x256xf32, #tpu.memory_space<vmem>>, vector<1x256xf32>
    %sub3A_574 = vector.broadcast %slice3A_570 : vector<336x1xf32> to vector<336x256xf32>
    %sub3A_575 = vector.broadcast %get3A_573 : vector<1x256xf32> to vector<336x256xf32>
    %sub3A_576 = arith.subf %sub3A_574, %sub3A_575 : vector<336x256xf32>
    %abs3A_577 = math.absf %sub3A_576 : vector<336x256xf32>
    %add3A_578 = arith.addf %add3A_569, %abs3A_577 : vector<336x256xf32>
    %sub3A_579 = arith.constant 1.200000e+01 : f32
    %sub3A_580 = vector.broadcast %sub3A_579 : f32 to vector<336x256xf32>
    %sub3A_581 = arith.subf %sub3A_580, %add3A_578 : vector<336x256xf32>
    %mul3A = arith.constant 336 : i32
    %mul3A_582 = arith.muli %arg0, %mul3A : i32
    %iota3A = tpu.iota {dimensions = array<i32: 1>} : vector<64x336xi32>
    %add3A_583 = vector.broadcast %mul3A_582 : i32 to vector<64x336xi32>
    %add3A_584 = arith.addi %add3A_583, %iota3A : vector<64x336xi32>
    %get3A_585 = arith.constant 0 : index
    %get3A_586 = arith.constant 0 : index
    %get3A_587 = vector.load %arg4[%get3A_585, %get3A_586] : memref<64x1xi32, #tpu.memory_space<vmem>>, vector<64x1xi32>
    %ge3A = vector.broadcast %get3A_587 : vector<64x1xi32> to vector<64x336xi32>
    %ge3A_588 = arith.cmpi sge, %add3A_584, %ge3A : vector<64x336xi32>
    %get3A_589 = arith.constant 0 : index
    %get3A_590 = arith.constant 0 : index
    %get3A_591 = vector.load %arg5[%get3A_589, %get3A_590] : memref<64x1xi32, #tpu.memory_space<vmem>>, vector<64x1xi32>
    %lt3A = vector.broadcast %get3A_591 : vector<64x1xi32> to vector<64x336xi32>
    %lt3A_592 = arith.cmpi slt, %add3A_584, %lt3A : vector<64x336xi32>
    %and3A = arith.andi %ge3A_588, %lt3A_592 : vector<64x336xi1>
    %get3A_593 = arith.constant 0 : index
    %get3A_594 = arith.constant 0 : index
    %get3A_595 = vector.load %arg6[%get3A_593, %get3A_594] : memref<64x1xf32, #tpu.memory_space<vmem>>, vector<64x1xf32>
    %jit3A = arith.constant 0.000000e+00 : f32
    %broadcast_in_dim3A_596 = vector.shape_cast %get3A_595 : vector<64x1xf32> to vector<64x1xf32>
    %broadcast_in_dim3A_597 = vector.broadcast %broadcast_in_dim3A_596 : vector<64x1xf32> to vector<64x336xf32>
    %broadcast_in_dim3A_598 = vector.broadcast %jit3A : f32 to vector<64x336xf32>
    %select_n3A = arith.select %and3A, %broadcast_in_dim3A_597, %broadcast_in_dim3A_598 : vector<64x336xi1>, vector<64x336xf32>
    %dot_general3A = arith.constant dense<0.000000e+00> : vector<64x256xf32>
    %dot_general3A_599 = tpu.matmul %select_n3A, %sub3A_581, %dot_general3A {dimension_numbers = #tpu.dot_dimension_numbers<[1], [0], [0], [1], [0, 0, 1, 1], [], []>, precision = #tpu.contract_precision<fp32>, transpose_lhs_hint = false} : vector<64x336xf32>, vector<336x256xf32>, vector<64x256xf32> -> vector<64x256xf32>
    %eq3A = arith.constant 0 : i32
    %eq3A_600 = arith.cmpi eq, %arg0, %eq3A : i32
    %convert_element_type3A = arith.extui %eq3A_600 : i1 to i32
    %cond3A = arith.constant 0 : i32
    %cond3A_601 = arith.cmpi ne, %convert_element_type3A, %cond3A : i32
    scf.if %cond3A_601 {
      %swap3A = arith.constant 0 : index
      %swap3A_606 = arith.constant 0 : index
      %swap3A_607 = vector.load %arg7[%swap3A, %swap3A_606] : memref<64x256xf32, #tpu.memory_space<vmem>>, vector<64x256xf32>
      tpu.vector_store %arg7[%swap3A, %swap3A_606], %dot_general3A_599 {strides = array<i32>} : memref<64x256xf32, #tpu.memory_space<vmem>>, vector<64x256xf32>,
    } else {
    }
    %gt3A = arith.constant 0 : i32
    %gt3A_602 = arith.cmpi sgt, %arg0, %gt3A : i32
    %convert_element_type3A_603 = arith.extui %gt3A_602 : i1 to i32
    %cond3A_604 = arith.constant 0 : i32
    %cond3A_605 = arith.cmpi ne, %convert_element_type3A_603, %cond3A_604 : i32
    scf.if %cond3A_605 {
      %get3A_606 = arith.constant 0 : index
      %get3A_607 = arith.constant 0 : index
      %get3A_608 = vector.load %arg7[%get3A_606, %get3A_607] : memref<64x256xf32, #tpu.memory_space<vmem>>, vector<64x256xf32>
      %add3A_609 = arith.addf %get3A_608, %dot_general3A_599 : vector<64x256xf32>
      %swap3A = arith.constant 0 : index
      %swap3A_610 = arith.constant 0 : index
      %swap3A_611 = vector.load %arg7[%swap3A, %swap3A_610] : memref<64x256xf32, #tpu.memory_space<vmem>>, vector<64x256xf32>
      tpu.vector_store %arg7[%swap3A, %swap3A_610], %add3A_609 {strides = array<i32>} : memref<64x256xf32, #tpu.memory_space<vmem>>, vector<64x256xf32>,
    } else {
    }
    return
  }
  func.func @transform_0(%arg0: i32) -> (i32, i32) {
    %c0_i32 = arith.constant 0 : i32
    %c0_i32_0 = arith.constant 0 : i32
    return %arg0, %c0_i32 : i32, i32
  }
  func.func @transform_1(%arg0: i32) -> (i32, i32) {
    %c0_i32 = arith.constant 0 : i32
    %c0_i32_0 = arith.constant 0 : i32
    return %arg0, %c0_i32 : i32, i32
  }
  func.func @transform_2(%arg0: i32) -> (i32, i32) {
    %c0_i32 = arith.constant 0 : i32
    %c0_i32_0 = arith.constant 0 : i32
    %c0_i32_1 = arith.constant 0 : i32
    return %c0_i32, %c0_i32_0 : i32, i32
  }
  func.func @transform_3(%arg0: i32) -> (i32, i32) {
    %c0_i32 = arith.constant 0 : i32
    %c0_i32_0 = arith.constant 0 : i32
    %c0_i32_1 = arith.constant 0 : i32
    return %c0_i32, %c0_i32_0 : i32, i32
  }
  func.func @transform_4(%arg0: i32) -> (i32, i32) {
    %c0_i32 = arith.constant 0 : i32
    %c0_i32_0 = arith.constant 0 : i32
    %c0_i32_1 = arith.constant 0 : i32
    return %c0_i32, %c0_i32_0 : i32, i32
  }
  func.func @transform_5(%arg0: i32) -> (i32, i32) {
    %c0_i32 = arith.constant 0 : i32
    %c0_i32_0 = arith.constant 0 : i32
    %c0_i32_1 = arith.constant 0 : i32
    return %c0_i32, %c0_i32_0 : i32, i32
  }
  func.func @transform_6(%arg0: i32) -> (i32, i32) {
    %c0_i32 = arith.constant 0 : i32
    %c0_i32_0 = arith.constant 0 : i32
    %c0_i32_1 = arith.constant 0 : i32
    return %c0_i32, %c0_i32_0 : i32, i32
  }
}

</mosaic_0001>

<sc_bundles>
// kernel: kernel.4.cloned.1.call-start
scs
__scs_entry_jumppad:
0x0: {  	(pc) =	sbr.rel $0x88, $3  }
0x1: {  	(tag) =	ssettag $0x0;
	lr =	simm.s32 $0x1  }
0x2: {  	[smem:$0x3F9C] =	sst lr;
	_ =	strace $0xD0000000  }
0x3: {  	_ = 	snop  }
0x4: {  	_ = 	snop  }
0x5: {  	_ = 	snop  }
0x6: {  	_ = 	snop  }
0x7: {  	_ = 	snop  }
__scs_overlays_trampoline_lowered:
0x8: {  	[smem:$0x3FAB] =	sst s0  }
0x9: {  	[smem:$0x3FAC] =	sst s1  }
0xa: {  	[smem:$0x3FAD] =	sst s2  }
0xb: {  	[smem:$0x3FAE] =	sst s3  }
0xc: {  	[smem:$0x3FAF] =	sst s4  }
0xd: {  	[smem:$0x3FB0] =	sst s5  }
0xe: {  	[smem:$0x3FB1] =	sst s6  }
0xf: {  	[smem:$0x3FB2] =	sst s7  }
0x10: {  	[smem:$0x3FB3] =	sst s8  }
0x11: {  	[smem:$0x3FB4] =	sst s9;
	s0 =	simm.s32 @!p0 $0x0  }
0x12: {  	s1 =	sld [smem:$0x3F9A];
	s0 =	simm.s32 @p0 $0x1  }
0x13: {  	[smem:$0x3FB5] =	sst s0;
	s0 =	simm.s32 @!p1 $0x0  }
0x14: {  	s2 =	sld [smem:$0x3F99];
	s0 =	simm.s32 @p1 $0x1  }
0x15: {  	[smem:$0x3FB6] =	sst s0;
	s0 =	simm.s32 @!p2 $0x0  }
0x16: {  	s3 =	sld [smem:$0x3FDB];
	s0 =	simm.s32 @p2 $0x1  }
0x17: {  	s4 =	simm.s32 $0x1BF5;
	[smem:$0x3FB8] =	sst s0  }
0x18: {  	s0 =	sld [smem:$0x3F9B];
	_ =	swait.ge [sflag:s4], $0x0  }
0x19: {  	s7 =	sld [smem:$0x3F9C]  }
0x1a: {  	s8 =	sadd.s32 $0xFFFFE003, lr  }
0x1b: {  	s9 =	sadd.s32 $0xFFFFFEF7, lr;
	s5 =	simm.s32 $0xFFFFFFFF;
	p2 =	slt.u32 s8, $0xFFFFF086  }
0x1c: {  	p1 =	slt.u32 s9, $0xF7A;
	s5 =	simm.s32 @!p2 $0x0  }
0x1d: {  	s5 =	simm.s32 @p1 $0x1;
	p0 =	seq.s32 s7, s2  }
0x1e: {  	s7 =	smul.u32 @!p0 $0xF7A, s2;
	p2 =	seq.s32 @!p0 s5, $0x0  }
0x1f: {  	s9 =	smul.u32 $0xF7A, s1;
	s8 =	simm.s32 @!p0 $0x1BF5;
	p2 =	por !p2, p0  }
0x20: {  	[sflag:s8] =	ssyncset.s32 @!p0 $0xFFFFF086;
	s6 =	sadd.s32 @!p0 s3, s7;
	s7 =	simm.s32 @!p0 $0x108  }
0x21: {  	s3 =	sadd.s32 s3, s9;
	s6 =	sadd.s32 @!p0 $0x88, s6;
	s7 =	simm.s32 @p2 $0x1082  }
0x22: {  	[simem:s7], [sflag:s8] =	dma.local @!p0 [hbm:s6], $0xF7A  }
0x23: {  	s9 =	sor.u32 $0xD0000000, s2;
	s6 =	simm.s32 $0x108;
	_ =	swait.ge @!p0 [sflag:s8], $0x0  }
0x24: {  	s3 =	sadd.s32 $0x88, s3;
	s6 =	simm.s32 @!p1 $0x1082;
	[sflag:s4] =	ssyncset.s32 $0xFFFFF086  }
0x25: {  	[simem:s6], [sflag:s4] =	dma.local [hbm:s3], $0xF7A  }
0x26: {  	[smem:$0x3F9C] =	sst s1;
	(tag) =	ssettag s2;
	_ =	strace s9  }
0x27: {  	s1 =	sld [smem:$0x3FAC]  }
0x28: {  	s2 =	sld [smem:$0x3FAD]  }
0x29: {  	s4 =	sld [smem:$0x3FAF]  }
0x2a: {  	p0 =	seq.s32 s5, $0x0;
	s5 =	sld [smem:$0x3FB0]  }
0x2b: {  	s6 =	sld [smem:$0x3FB1]  }
0x2c: {  	s7 =	sld [smem:$0x3FB2]  }
0x2d: {  	s3 =	simm.s32 $0x108;
	s8 =	sld [smem:$0x3FB3]  }
0x2e: {  	s3 =	simm.s32 @!p0 $0x1082;
	s9 =	sld [smem:$0x3FB4]  }
0x2f: {  	lr =	sadd.s32 s0, s3;
	s0 =	sld [smem:$0x3FAB]  }
0x30: {  	s3 =	sld [smem:$0x3FAE]  }
0x31: {  	[smem:$0x3FB7] =	sst s10  }
0x32: {  	s10 =	sld [smem:$0x3FB5];
	_ =	sdelay $0x3  }
0x33: {  	p0 =	seq.s32 s10, $0x1;
	s10 =	sld [smem:$0x3FB7];
	_ =	sdelay $0x3  }
0x34: {  	[smem:$0x3FB7] =	sst s10  }
0x35: {  	s10 =	sld [smem:$0x3FB6];
	_ =	sdelay $0x3  }
0x36: {  	p1 =	seq.s32 s10, $0x1;
	s10 =	sld [smem:$0x3FB7];
	_ =	sdelay $0x3  }
0x37: {  	[smem:$0x3FB7] =	sst s10  }
0x38: {  	s10 =	sld [smem:$0x3FB8]  }
0x39: {  	_ = 	snop;
	(pc) =	sbr.ind lr, $3  }
0x3a: {  	_ = 	snop  }
0x3b: {  	_ = 	snop  }
0x3c: {  	p2 =	seq.s32 s10, $0x1;
	s10 =	sld [smem:$0x3FB7]  }
0x3d: {  	_ =	shalt  }
0x3e: {  	_ =	shalt  }
0x3f: {  	_ =	shalt  }
0x40: {  	_ =	shalt  }
0x41: {  	_ =	shalt  }
0x42: {  	_ =	shalt  }
0x43: {  	_ =	shalt  }
0x44: {  	_ =	shalt  }
0x45: {  	_ =	shalt  }
0x46: {  	_ =	shalt  }
0x47: {  	_ =	shalt  }
0x48: {  	_ =	shalt  }
0x49: {  	_ =	shalt  }
0x4a: {  	_ =	shalt  }
0x4b: {  	_ =	shalt  }
0x4c: {  	_ =	shalt  }
0x4d: {  	_ =	shalt  }
0x4e: {  	_ =	shalt  }
0x4f: {  	_ =	shalt  }
0x50: {  	_ =	shalt  }
0x51: {  	_ =	shalt  }
0x52: {  	_ =	shalt  }
0x53: {  	_ =	shalt  }
0x54: {  	_ =	shalt  }
0x55: {  	_ =	shalt  }
0x56: {  	_ =	shalt  }
0x57: {  	_ =	shalt  }
0x58: {  	_ =	shalt  }
0x59: {  	_ =	shalt  }
0x5a: {  	_ =	shalt  }
0x5b: {  	_ =	shalt  }
0x5c: {  	_ =	shalt  }
0x5d: {  	_ =	shalt  }
0x5e: {  	_ =	shalt  }
0x5f: {  	_ =	shalt  }
0x60: {  	_ =	shalt  }
0x61: {  	_ =	shalt  }
0x62: {  	_ =	shalt  }
0x63: {  	_ =	shalt  }
0x64: {  	_ =	shalt  }
0x65: {  	_ =	shalt  }
0x66: {  	_ =	shalt  }
0x67: {  	_ =	shalt  }
0x68: {  	_ =	shalt  }
0x69: {  	_ =	shalt  }
0x6a: {  	_ =	shalt  }
0x6b: {  	_ =	shalt  }
0x6c: {  	_ =	shalt  }
0x6d: {  	_ =	shalt  }
0x6e: {  	_ =	shalt  }
0x6f: {  	_ =	shalt  }
0x70: {  	_ =	shalt  }
0x71: {  	_ =	shalt  }
0x72: {  	_ =	shalt  }
0x73: {  	_ =	shalt  }
0x74: {  	_ =	shalt  }
0x75: {  	_ =	shalt  }
0x76: {  	_ =	shalt  }
0x77: {  	_ =	shalt  }
0x78: {  	_ =	shalt  }
0x79: {  	_ =	shalt  }
0x7a: {  	_ =	shalt  }
0x7b: {  	_ =	shalt  }
0x7c: {  	_ =	shalt  }
0x7d: {  	_ =	shalt  }
0x7e: {  	_ =	shalt  }
0x7f: {  	_ =	shalt  }
0x80: {  	_ =	shalt  }
0x81: {  	_ =	shalt  }
0x82: {  	_ =	shalt  }
0x83: {  	_ =	shalt  }
0x84: {  	_ =	shalt  }
0x85: {  	_ =	shalt  }
0x86: {  	_ =	shalt  }
0x87: {  	_ =	shalt  }
.Lfunc_end0:
.L_simem_size_0:
called_computation_lowered:
.L_overlay_start_0:
0x88: {  	s2 =	sld [smem:$0x3FD9]  }
0x89: {  	s3 =	sld [smem:$0x3FFE];
	_ =	sdelay $0x1  }
0x8a: {  	s1 =	srdreg.scid  }
0x8b: {  	s0 =	sand.u32 $0x1, s1  }
0x8c: {  	s18 =	sshll.u32 s0, $0xA;
	s2 =	sadd.s32 s3, s2  }
0x8d: {  	s2 =	sadd.s32 s2, s18  }
0x8e: {  	[smem:$0x3FC3] =	sst s2  }
0x8f: {  	_ = 	snop  }
0x90: {  	s2 =	sld [smem:$0x3FC7]  }
0x91: {  	s19 =	sld [smem:$0x3FC6]  }
0x92: {  	s4 =	sld [smem:$0x3FD0];
	(tm) =	ssettm $0x1  }
0x93: {  	s5 =	sld [smem:$0x3FFB];
	_ =	sdelay $0x3  }
0x94: {  	_ =	strace s5  }
0x95: {  	s5 =	sld [smem:$0x3FFC];
	_ =	sdelay $0x3  }
0x96: {  	_ =	strace s5  }
0x97: {  	s5 =	sld [smem:$0x3FFD];
	_ =	sdelay $0x3  }
0x98: {  	_ =	strace s5  }
0x99: {  	_ =	strace $0x8FFFFFFF  }
0x9a: {  	s20 =	sld [smem:$0x3FDB];
	_ =	sdelay $0x1  }
0x9b: {  	s6 =	simm.s32 $_scs_section_size  }
0x9c: {  	s7 =	simm.s32 $_size__tile_overlayer_lowered;
	s8 =	simm.s32 $_tile_overlayer_lowered  }
0x9d: {  	s23 =	simm.s32 $0x1BFF;
	s22 =	sshll.u32 s8, $0x1;
	s5 =	sadd.s32 s6, s20  }
0x9e: {  	s9 =	simm.s32 $0x0;
	s21 =	sshll.u32 s7, $0x1;
	s7 =	sadd.s32 s22, s5  }
0x9f: {  	[timem:s9], [sflag:s23] =	dma.local [hbm:s7], s21  }
0xa0: {  	_ =	swait.ge [sflag:s23], s21  }
0xa1: {  	s6 =	ssub.s32 $0x0, s21;
	[sflag:s23] =	ssyncset.done $0x0  }
0xa2: {  	[sflag:s23] =	ssyncadd.s32 s6;
	_ =	sdelay $0x1  }
0xa3: {  	s24 =	simm.s32 $0x1B8B  }
0xa4: {  	_ =	swait.ge [sflag:s24], $0x1  }
0xa5: {  	[sflag:s24] =	ssyncset.done $0x0  }
0xa6: {  	s25 =	simm.s32 $0x1B8E;
	[sflag:s24] =	ssyncadd.s32 $0xFFFFFFFF  }
0xa7: {  	s26 =	simm.s32 $execute0_lowered;
	[smem:$0x3FD2] =	sst s25  }
0xa8: {  	s6 =	sshll.u32 s26, $0x1;
	_ =	strace $0x80000046;
	[dreg:$0x1] =	wrdreg $0xFFFFFFFF  }
0xa9: {  	s28 =	simm.s32 $_size_execute0_lowered;
	s5 =	sadd.s32 s5, s6;
	[dreg:$0x0] =	wrdreg $0x0  }
0xaa: {  	s6 =	sshll.u32 s28, $0x1;
	[dreg:$0x2] =	wrdreg s5  }
0xab: {  	[dreg:$0x3] =	wrdreg s6  }
0xac: {  	[dreg:$0x4] =	wrdreg $0xC0  }
0xad: {  	_ =	task [dreg:s9], $0x5FFFF  }
0xae: {  	[dreg:$0x1] =	wrdreg $0xFFFFFFFF  }
0xaf: {  	[dreg:$0x0] =	wrdreg $0x60  }
0xb0: {  	[dreg:$0x2] =	wrdreg s2  }
0xb1: {  	[dreg:$0x3] =	wrdreg s19  }
0xb2: {  	[dreg:$0x4] =	wrdreg s4  }
0xb3: {  	[dreg:$0x5] =	wrdreg $0x9  }
0xb4: {  	_ =	task.clear_ibuf [dreg:s9], $0x6FFFF;
	_ =	strace $0x90000046  }
0xb5: {  	s29 =	simm.s32 $0x9;
	_ =	strace $0x80000048  }
0xb6: {  	_ =	swait.ge [sflag:s29], $0x1  }
0xb7: {  	[sflag:s29] =	ssyncadd.s32 $0xFFFFFFFF  }
0xb8: {  	_ =	strace $0x90000048  }
0xb9: {  	_ =	sfence  }
0xba: {  	s30 =	sld [smem:$0x0];
	_ =	sdelay $0x2  }
0xbb: {  	s31 =	sshll.u32 s1, $0xD;
	s1 =	sshrl.u32 s1, $0x2  }
0xbc: {  	s3 =	sand.u32 $0x4000, s31;
	s1 =	sadd.s32 s1, s30  }
0xbd: {  	s0 =	sor.u32 s3, s0;
	s1 =	sshll.u32 s1, $0x11  }
0xbe: {  	s0 =	sor.u32 s1, s0  }
0xbf: {  	s0 =	sadd.s32 $0x8F2B, s0  }
0xc0: {  	[sflag:s0] =	ssyncadd.remote.s32 $0x1  }
0xc1: {  	_ =	sfence.sel $0xFFFF  }
0xc2: {  	[dreg:$0x0] =	wrdreg $0xFFFFFFFF;
	(pc) =	sbr.abs _section_cstart, $3  }
0xc3: {  	[dreg:$0x1] =	wrdreg $0xFFFFFFFF  }
0xc4: {  	_ =	task.clear_ibuf [dreg:s9], $0x2FFFF;
	_ =	strace $0x9FFFFFFF  }
0xc5: {  	(tm) =	ssettm $0x7FFFFFFF  }
tec
execute0_lowered:
.L_overlay_start_1:
0x0: {  	(tag) =	ssettag $0x1  }
0x1: {  	s1 =	rddreg [dreg:$0x0]  }
0x2: {  	s4 =	rddreg [dreg:$0x1]  }
0x3: {  	s5 =	rddreg [dreg:$0x2]  }
0x4: {  	s0 =	rddreg [dreg:$0x3];
	s3 =	simm.s32 $0x0;
	s6 =	srdreg.scid  }
0x5: {  	s2 =	stileid.u32;
	s10 =	simm.s32 $0x4080;
	s11 =	simm.s32 $0x6080  }
0x6: {  	s12 =	simm.s32 $0x8080;
	s13 =	simm.s32 $0xA080;
	s14 =	simm.s32 $0xC080  }
0x7: {  	s17 =	simm.s32 $0x10080;
	s15 =	simm.s32 $0xE080;
	s16 =	simm.s32 $0x1  }
0x8: {  	[smem:$0x7FF] =	sst s3;
	s6 =	sand.u32 $0x1, s6;
	s7 =	sshll.u32 s2, $0x1  }
0x9: {  	s8 =	sshll.u32 s2, $0x7;
	_ =	strace $0x80000047;
	s7 =	sor.u32 s6, s7  }
0xa: {  	s6 =	ssub.s32 $0x2, s6;
	s8 =	sand.u32 $0x600, s8;
	[dreg:$0x6] =	wrdreg s17  }
0xb: {  	s9 =	sshll.u32 s7, $0x4;
	s4 =	sadd.s32 s4, s7;
	s5 =	sadd.s32 s5, s8  }
0xc: {  	v0 =	vlaneseq.u32;
	s29 =	sshrl.u32 s6, $0x1;
	s7 =	simm.s32 $0x61C00;
	s8 =	simm.s32 $0x80  }
0xd: {  	v0 =	vmul.u32 $0x80, v0;
	s28 =	sand.u32 $0x70, s9;
	[dreg:$0x4] =	wrdreg s4;
	s31 =	ssub.s32 s6, s29  }
0xe: {  	v1 =	vimm.s32 $0x0;
	s6 =	simm.s32 $0x400;
	s9 =	simm.s32 $0x2080;
	s30 =	sadd.s32 s28, s5  }
0xf: {  	v2 =	vor.u32 $0x800, v0;
	v3 =	vor.u32 $0x1000, v0;
	v4 =	vor.u32 $0x1800, v0;
	s4 =	smax.u32 s31, $0x1;
	s5 =	simm.s32 $0x2;
	[dreg:$0x5] =	wrdreg s30  }
.LBB2_1:
0x10: {  	s17 =	rddreg [dreg:$0x4]  }
0x11: {  	[tilespmem:s3], [sflag:$0x2] =	stream.linear.gather [hbm4b:s17+s3], $0x8, $0x38;
	[tilespmem:$0x10280] =	vst v63  }
0x12: {  	_ =	swait.ge [sflag:s5], $0x8  }
0x13: {  	[sflag:s5] =	ssyncset.done $0x0  }
0x14: {  	[sflag:s5] =	ssyncadd.s32 $0xFFFFFFF8  }
0x15: {  	v5 =	vld [tilespmem:$0x0];
	_ =	sdelay $0x4  }
0x16: {  	v6 =	vshra.s32 v5, $0x1F;
	v7 =	vand.u32 $0x7F, v5  }
0x17: {  	vm0 =	vlt.s32 v5, $0x1;
	v6 =	vshrl.u32 v6, $0x19;
	vm1 =	vne.s32 v7, $0x0  }
0x18: {  	v6 =	vadd.s32 v6, v5;
	vm0 =	vmand vm0, vm1  }
0x19: {  	v6 =	vshrl.u32 v6, $0x7;
	v7 =	vsel vm0, $0xFFFFFFFF, v1  }
0x1a: {  	v6 =	vadd.s32 v7, v6  }
0x1b: {  	v6 =	vshll.u32 v6, $0x7  }
0x1c: {  	(v2sf) =	vpush v6, $0x0  }
0x1d: {  	(v2sf) =	vpush v6, $0x1;
	_ =	sdelay $0x1  }
0x1e: {  	(v2sf) =	vpush v6, $0x2;
	_ =	sdelay $0x4  }
0x1f: {  	(v2sf) =	vpush v6, $0x3  }
0x20: {  	(v2sf) =	vpush v6, $0x4;
	_ =	sdelay $0x5  }
0x21: {  	s18 =	spop (v2sf);
	(v2sf) =	vpush v6, $0x5  }
0x22: {  	s19 =	spop (v2sf);
	(v2sf) =	vpush v6, $0x6  }
0x23: {  	s17 =	sand.u32 $0x1FFFFF80, s18  }
0x24: {  	s17 =	sadd.s32 s1, s17;
	s20 =	spop (v2sf)  }
0x25: {  	(v2sf) =	vpush v6, $0x7;
	[tilespmem:s8], [sflag:$0x1] =	stream.strided.gather [hbm4b:s17+s6], $0x2000, s7, s6, $0x38;
	[tilespmem:$0x10280] =	vst v63  }
0x26: {  	s17 =	sand.u32 $0x1FFFFF80, s19  }
0x27: {  	s17 =	sadd.s32 s1, s17  }
0x28: {  	[tilespmem:s9], [sflag:$0x1] =	stream.strided.gather [hbm4b:s17+s6], $0x2000, s7, s6, $0x38;
	[tilespmem:$0x10280] =	vst v63  }
0x29: {  	s18 =	spop (v2sf);
	s17 =	sand.u32 $0x1FFFFF80, s20  }
0x2a: {  	s21 =	sand.u32 $0x1FFFFF80, s18;
	s22 =	spop (v2sf);
	s17 =	sadd.s32 s1, s17  }
0x2b: {  	[tilespmem:s10], [sflag:$0x1] =	stream.strided.gather [hbm4b:s17+s6], $0x2000, s7, s6, $0x38;
	[tilespmem:$0x10280] =	vst v63  }
0x2c: {  	s23 =	sand.u32 $0x1FFFFF80, s22;
	s17 =	sadd.s32 s1, s21  }
0x2d: {  	[tilespmem:s11], [sflag:$0x1] =	stream.strided.gather [hbm4b:s17+s6], $0x2000, s7, s6, $0x38;
	[tilespmem:$0x10280] =	vst v63  }
0x2e: {  	s17 =	sadd.s32 s1, s23  }
0x2f: {  	[tilespmem:s12], [sflag:$0x1] =	stream.strided.gather [hbm4b:s17+s6], $0x2000, s7, s6, $0x38;
	[tilespmem:$0x10280] =	vst v63  }
0x30: {  	s24 =	spop (v2sf)  }
0x31: {  	s25 =	sand.u32 $0x1FFFFF80, s24;
	s26 =	spop (v2sf)  }
0x32: {  	s17 =	sadd.s32 s1, s25;
	s28 =	sand.u32 $0x1FFFFF80, s26  }
0x33: {  	[tilespmem:s13], [sflag:$0x1] =	stream.strided.gather [hbm4b:s17+s6], $0x2000, s7, s6, $0x38;
	[tilespmem:$0x10280] =	vst v63  }
0x34: {  	s29 =	spop (v2sf);
	s17 =	sadd.s32 s1, s28  }
0x35: {  	[tilespmem:s14], [sflag:$0x1] =	stream.strided.gather [hbm4b:s17+s6], $0x2000, s7, s6, $0x38;
	[tilespmem:$0x10280] =	vst v63  }
0x36: {  	s17 =	sand.u32 $0x1FFFFF80, s29  }
0x37: {  	s17 =	sadd.s32 s1, s17  }
0x38: {  	[tilespmem:s15], [sflag:$0x1] =	stream.strided.gather [hbm4b:s17+s6], $0x2000, s7, s6, $0x38;
	[tilespmem:$0x10280] =	vst v63  }
0x39: {  	_ =	swait.ge [sflag:s16], $0x2000  }
0x3a: {  	[sflag:s16] =	ssyncset.done $0x0  }
0x3b: {  	[sflag:s16] =	ssyncadd.s32 $0xFFFFE000  }
0x3c: {  	_ =	swait.ge [sflag:s16], $0x2000  }
0x3d: {  	[sflag:s16] =	ssyncset.done $0x0  }
0x3e: {  	[sflag:s16] =	ssyncadd.s32 $0xFFFFE000  }
0x3f: {  	_ =	swait.ge [sflag:s16], $0x2000  }
0x40: {  	[sflag:s16] =	ssyncset.done $0x0  }
0x41: {  	[sflag:s16] =	ssyncadd.s32 $0xFFFFE000  }
0x42: {  	_ =	swait.ge [sflag:s16], $0x2000  }
0x43: {  	[sflag:s16] =	ssyncset.done $0x0  }
0x44: {  	[sflag:s16] =	ssyncadd.s32 $0xFFFFE000  }
0x45: {  	_ =	swait.ge [sflag:s16], $0x2000  }
0x46: {  	[sflag:s16] =	ssyncset.done $0x0  }
0x47: {  	[sflag:s16] =	ssyncadd.s32 $0xFFFFE000  }
0x48: {  	_ =	swait.ge [sflag:s16], $0x2000  }
0x49: {  	v5 =	vsub.s32 v5, v6;
	[sflag:s16] =	ssyncset.done $0x0  }
0x4a: {  	v6 =	vbroadcast v5, $0x0;
	[sflag:s16] =	ssyncadd.s32 $0xFFFFE000  }
0x4b: {  	_ =	swait.ge [sflag:s16], $0x2000  }
0x4c: {  	v7 =	vadd.s32 v0, v6;
	[sflag:s16] =	ssyncset.done $0x0  }
0x4d: {  	[sflag:s16] =	ssyncadd.s32 $0xFFFFE000  }
0x4e: {  	_ =	swait.ge [sflag:s16], $0x2000  }
0x4f: {  	[sflag:s16] =	ssyncset.done $0x0  }
0x50: {  	[sflag:s16] =	ssyncadd.s32 $0xFFFFE000  }
0x51: {  	v7 =	vld.idx.msk [tilespmem:v7+s8+$0x0], $0xffff  }
0x52: {  	v8 =	vadd.s32 v2, v6;
	_ =	sdelay $0x3  }
0x53: {  	[tilespmem:$0x10080] =	vst v7  }
0x54: {  	v7 =	vld.idx.msk [tilespmem:v8+s8+$0x0], $0xffff  }
0x55: {  	v45 =	vadd.s32 v3, v6;
	_ =	sdelay $0x3  }
0x56: {  	[tilespmem:$0x10090] =	vst v7  }
0x57: {  	v7 =	vld.idx.msk [tilespmem:v45+s8+$0x0], $0xffff  }
0x58: {  	v6 =	vadd.s32 v4, v6;
	_ =	sdelay $0x3  }
0x59: {  	[tilespmem:$0x100A0] =	vst v7;
	v7 =	vbroadcast v5, $0x1  }
0x5a: {  	v6 =	vld.idx.msk [tilespmem:v6+s8+$0x0], $0xffff  }
0x5b: {  	v46 =	vadd.s32 v0, v7;
	_ =	sdelay $0x3  }
0x5c: {  	[tilespmem:$0x100B0] =	vst v6  }
0x5d: {  	v6 =	vld.idx.msk [tilespmem:v46+s9+$0x0], $0xffff  }
0x5e: {  	v47 =	vadd.s32 v2, v7;
	_ =	sdelay $0x3  }
0x5f: {  	[tilespmem:$0x100C0] =	vst v6  }
0x60: {  	v6 =	vld.idx.msk [tilespmem:v47+s9+$0x0], $0xffff  }
0x61: {  	v48 =	vadd.s32 v3, v7;
	_ =	sdelay $0x3  }
0x62: {  	[tilespmem:$0x100D0] =	vst v6  }
0x63: {  	v6 =	vld.idx.msk [tilespmem:v48+s9+$0x0], $0xffff  }
0x64: {  	v7 =	vadd.s32 v4, v7;
	_ =	sdelay $0x3  }
0x65: {  	[tilespmem:$0x100E0] =	vst v6;
	v6 =	vbroadcast v5, $0x2  }
0x66: {  	v7 =	vld.idx.msk [tilespmem:v7+s9+$0x0], $0xffff  }
0x67: {  	v49 =	vadd.s32 v0, v6;
	_ =	sdelay $0x3  }
0x68: {  	[tilespmem:$0x100F0] =	vst v7  }
0x69: {  	v7 =	vld.idx.msk [tilespmem:v49+s10+$0x0], $0xffff  }
0x6a: {  	v50 =	vadd.s32 v2, v6;
	_ =	sdelay $0x3  }
0x6b: {  	[tilespmem:$0x10100] =	vst v7  }
0x6c: {  	v7 =	vld.idx.msk [tilespmem:v50+s10+$0x0], $0xffff  }
0x6d: {  	v51 =	vadd.s32 v3, v6;
	_ =	sdelay $0x3  }
0x6e: {  	[tilespmem:$0x10110] =	vst v7  }
0x6f: {  	v7 =	vld.idx.msk [tilespmem:v51+s10+$0x0], $0xffff  }
0x70: {  	v6 =	vadd.s32 v4, v6;
	_ =	sdelay $0x3  }
0x71: {  	[tilespmem:$0x10120] =	vst v7;
	v7 =	vbroadcast v5, $0x3  }
0x72: {  	v6 =	vld.idx.msk [tilespmem:v6+s10+$0x0], $0xffff  }
0x73: {  	v52 =	vadd.s32 v0, v7;
	_ =	sdelay $0x3  }
0x74: {  	[tilespmem:$0x10130] =	vst v6  }
0x75: {  	v6 =	vld.idx.msk [tilespmem:v52+s11+$0x0], $0xffff  }
0x76: {  	v53 =	vadd.s32 v2, v7;
	_ =	sdelay $0x3  }
0x77: {  	[tilespmem:$0x10140] =	vst v6  }
0x78: {  	v6 =	vld.idx.msk [tilespmem:v53+s11+$0x0], $0xffff  }
0x79: {  	v54 =	vadd.s32 v3, v7;
	_ =	sdelay $0x3  }
0x7a: {  	[tilespmem:$0x10150] =	vst v6  }
0x7b: {  	v6 =	vld.idx.msk [tilespmem:v54+s11+$0x0], $0xffff  }
0x7c: {  	v7 =	vadd.s32 v4, v7;
	_ =	sdelay $0x3  }
0x7d: {  	[tilespmem:$0x10160] =	vst v6;
	v6 =	vbroadcast v5, $0x4  }
0x7e: {  	v7 =	vld.idx.msk [tilespmem:v7+s11+$0x0], $0xffff  }
0x7f: {  	v55 =	vadd.s32 v0, v6;
	_ =	sdelay $0x3  }
0x80: {  	[tilespmem:$0x10170] =	vst v7  }
0x81: {  	v7 =	vld.idx.msk [tilespmem:v55+s12+$0x0], $0xffff  }
0x82: {  	v56 =	vadd.s32 v2, v6;
	_ =	sdelay $0x3  }
0x83: {  	[tilespmem:$0x10180] =	vst v7  }
0x84: {  	v7 =	vld.idx.msk [tilespmem:v56+s12+$0x0], $0xffff  }
0x85: {  	v57 =	vadd.s32 v3, v6;
	_ =	sdelay $0x3  }
0x86: {  	[tilespmem:$0x10190] =	vst v7  }
0x87: {  	v7 =	vld.idx.msk [tilespmem:v57+s12+$0x0], $0xffff  }
0x88: {  	v6 =	vadd.s32 v4, v6;
	_ =	sdelay $0x3  }
0x89: {  	[tilespmem:$0x101A0] =	vst v7;
	v7 =	vbroadcast v5, $0x5  }
0x8a: {  	v6 =	vld.idx.msk [tilespmem:v6+s12+$0x0], $0xffff  }
0x8b: {  	v58 =	vadd.s32 v0, v7;
	_ =	sdelay $0x3  }
0x8c: {  	[tilespmem:$0x101B0] =	vst v6  }
0x8d: {  	v6 =	vld.idx.msk [tilespmem:v58+s13+$0x0], $0xffff  }
0x8e: {  	v59 =	vadd.s32 v2, v7;
	_ =	sdelay $0x3  }
0x8f: {  	[tilespmem:$0x101C0] =	vst v6  }
0x90: {  	v6 =	vld.idx.msk [tilespmem:v59+s13+$0x0], $0xffff  }
0x91: {  	v60 =	vadd.s32 v3, v7;
	_ =	sdelay $0x3  }
0x92: {  	[tilespmem:$0x101D0] =	vst v6  }
0x93: {  	v6 =	vld.idx.msk [tilespmem:v60+s13+$0x0], $0xffff  }
0x94: {  	v7 =	vadd.s32 v4, v7;
	_ =	sdelay $0x3  }
0x95: {  	[tilespmem:$0x101E0] =	vst v6;
	v6 =	vbroadcast v5, $0x6  }
0x96: {  	v7 =	vld.idx.msk [tilespmem:v7+s13+$0x0], $0xffff  }
0x97: {  	v61 =	vadd.s32 v0, v6;
	_ =	sdelay $0x3  }
0x98: {  	[tilespmem:$0x101F0] =	vst v7  }
0x99: {  	v7 =	vld.idx.msk [tilespmem:v61+s14+$0x0], $0xffff  }
0x9a: {  	v62 =	vadd.s32 v2, v6;
	_ =	sdelay $0x3  }
0x9b: {  	[tilespmem:$0x10200] =	vst v7  }
0x9c: {  	v7 =	vld.idx.msk [tilespmem:v62+s14+$0x0], $0xffff  }
0x9d: {  	v63 =	vadd.s32 v3, v6;
	_ =	sdelay $0x3  }
0x9e: {  	[tilespmem:$0x10210] =	vst v7  }
0x9f: {  	v7 =	vld.idx.msk [tilespmem:v63+s14+$0x0], $0xffff  }
0xa0: {  	v6 =	vadd.s32 v4, v6;
	_ =	sdelay $0x3  }
0xa1: {  	v5 =	vbroadcast v5, $0x7;
	[tilespmem:$0x10220] =	vst v7  }
0xa2: {  	v6 =	vld.idx.msk [tilespmem:v6+s14+$0x0], $0xffff  }
0xa3: {  	v7 =	vadd.s32 v0, v5;
	_ =	sdelay $0x3  }
0xa4: {  	[tilespmem:$0x10230] =	vst v6  }
0xa5: {  	v6 =	vld.idx.msk [tilespmem:v7+s15+$0x0], $0xffff  }
0xa6: {  	v7 =	vadd.s32 v2, v5;
	_ =	sdelay $0x3  }
0xa7: {  	[tilespmem:$0x10240] =	vst v6  }
0xa8: {  	v6 =	vld.idx.msk [tilespmem:v7+s15+$0x0], $0xffff  }
0xa9: {  	v7 =	vadd.s32 v3, v5;
	_ =	sdelay $0x3  }
0xaa: {  	[tilespmem:$0x10250] =	vst v6  }
0xab: {  	v6 =	vld.idx.msk [tilespmem:v7+s15+$0x0], $0xffff  }
0xac: {  	v5 =	vadd.s32 v4, v5;
	_ =	sdelay $0x3  }
0xad: {  	[tilespmem:$0x10260] =	vst v6  }
0xae: {  	v5 =	vld.idx.msk [tilespmem:v5+s15+$0x0], $0xffff;
	_ =	sdelay $0x3  }
0xaf: {  	p0 =	sne.s32 s4, $0x1;
	s30 =	rddreg [dreg:$0x5]  }
.Ltmp0:
0xb0: {  	s31 =	rddreg [dreg:$0x6];
	[tilespmem:$0x10270] =	vst v5;
	(pc) =	sbr.rel @p0 .LBB2_1-.Ltmp0, $4  }
0xb1: {  	[hbm4b:s30+s8] =	stream.strided.scatter [tilespmem:s31], [sflag:$0x2], $0x200, s6, s8, $0x38;
	[tilespmem:$0x10280] =	vst v63  }
0xb2: {  	_ =	swait.ge [sflag:s5], $0x200  }
0xb3: {  	[sflag:s5] =	ssyncset.done $0x0  }
0xb4: {  	s4 =	sadd.s32 $0xFFFFFFFF, s4;
	[sflag:s5] =	ssyncadd.s32 $0xFFFFFE00  }
0xb5: {  	_ =	sfence.sel $0x180000  }
0xb6: {  	[bflag:$0x0] =	sbarrier.arrive $0xFFFF  }
0xb7: {  	p0 =	sne.s32 s2, $0x0;
	_ =	strace $0x90000047  }
0xb8: {  	s0 =	sadd.s32 @!p0 $0x100000, s0;
	[bflag:$0x2] =	sbarrier.arrive $0xFFFF  }
0xb9: {  	[sflag:s0] =	ssyncadd.tile.s32 @!p0 $0x1;
	_ =	shalt  }
.Lfunc_end2:
_tile_overlayer_lowered:
.L_overlay_start_2:
0xba: {  	(tag) =	ssettag $0x2  }
0xbb: {  	s0 =	rddreg [dreg:$0x0];
	s2 =	stileid.u32  }
0xbc: {  	s1 =	rddreg [dreg:$0x1];
	p0 =	sne.s32 s2, $0x0  }
0xbd: {  	s3 =	rddreg [dreg:$0x2];
	[bflag:$0x3] =	sbarrier.arrive $0xFFFF;
	s2 =	simm.s32 @!p0 $0x1C02  }
0xbe: {  	[timem:s3], [sflag:s2] =	dma.local @!p0 [hbm:s0], s1  }
0xbf: {  	s0 =	simm.s32 @!p0 $0x2  }
0xc0: {  	_ =	swait.ge @!p0 [sflag:s0], s1  }
0xc1: {  	s1 =	ssub.s32 @!p0 $0x0, s1;
	[sflag:s0] =	ssyncset.done @!p0 $0x0  }
0xc2: {  	[sflag:s0] =	ssyncadd.s32 @!p0 s1  }
0xc3: {  	[bflag:$0x3] =	sbarrier.arrive $0xFFFF  }
0xc4: {  	_ =	shalt  }

</sc_bundles>
